<compile_context>
chip_gen: v7x
topology: tpu7x:2x2x1
jax: 0.10.2.dev20260603
libtpu: 0.0.44.dev20260713+nightly
codegen_flags: <defaults>
</compile_context>

<pallas_src>
import jax
import jax.numpy as jnp
from jax import lax
from jax.experimental import pallas as pl
from jax.experimental.pallas import tpu as pltpu
from jax.experimental.pallas import tpu_sc as plsc

_VOCAB = 100000
_HASH_SIZE = 4194304
_B = 4096
_L = 50
_NPAIR = _B * (_L - 1)
_NW = 32
_ROWS_W = _B // _NW
_NQ = 4
_ROWS_Q = _ROWS_W // _NQ
_PER_Q = _ROWS_Q * (_L - 1)
_CHUNKS = (0, 16, 32, 33)
_STAGE = 6256


def _lm_body(x_hbm, uni_hbm, bo_hbm, bg_hbm, fnd_hbm, out_hbm,
             x_v, out_v, bnc_u, bnc_b, uni_sh, bo_sh, *rest):
    bufs = rest[:7 * _NQ]
    sems = rest[7 * _NQ:]
    s_x, s_su, s_sb = sems[0], sems[1], sems[2]
    qsems = sems[3:]

    sid = lax.axis_index("s")
    wid = sid * 2 + lax.axis_index("c")
    row0 = wid * _ROWS_W

    sbase = jnp.minimum(sid * _STAGE, _VOCAB - _STAGE)
    cp_su = pltpu.async_copy(uni_hbm.at[pl.ds(sbase, _STAGE)], bnc_u, s_su)
    cp_sb = pltpu.async_copy(bo_hbm.at[pl.ds(sbase, _STAGE)], bnc_b, s_sb)
    cp_x = pltpu.async_copy(x_hbm.at[pl.ds(row0, _ROWS_W)], x_v, s_x)

    with jax.named_scope("wait_x"):
        cp_x.wait()

    def unpack_quarter(r0, prev_r, cur_r, h_r):
        def body(r, _):
            for o in _CHUNKS:
                pv = x_v[r0 + r, pl.ds(o, 16)]
                cv = x_v[r0 + r, pl.ds(o + 1, 16)]
                sl = pl.ds(r * (_L - 1) + o, 16)
                prev_r[sl] = pv
                cur_r[sl] = cv
                h_r[sl] = (pv * 1000003 + cv) & (_HASH_SIZE - 1)
            return 0
        lax.fori_loop(0, _ROWS_Q, body, 0)

    def blend_quarter(r0, uni_r, bo_r, bg_r, fnd_r):
        def body(r, _):
            for o in _CHUNKS:
                sl = pl.ds(r * (_L - 1) + o, 16)
                f = fnd_r[sl]
                out_v[r0 + r, pl.ds(o, 16)] = (
                    f * bg_r[sl] + (1.0 - f) * (bo_r[sl] + uni_r[sl]))
            return 0
        lax.fori_loop(0, _ROWS_Q, body, 0)

    copies = []
    for q in range(_NQ):
        prev_r, cur_r, h_r, uni_r, bo_r, bg_r, fnd_r = bufs[7 * q:7 * q + 7]
        s_u, s_o, s_g, s_f = qsems[4 * q:4 * q + 4]
        with jax.named_scope("unpack"):
            unpack_quarter(q * _ROWS_Q, prev_r, cur_r, h_r)
        cp_g = pltpu.async_copy(bg_hbm.at[h_r], bg_r, s_g)
        cp_f = pltpu.async_copy(fnd_hbm.at[h_r], fnd_r, s_f)
        if q == 0:
            with jax.named_scope("publish"):
                cp_su.wait()
                pltpu.sync_copy(bnc_u, uni_sh.at[pl.ds(sbase, _STAGE)])
                cp_sb.wait()
                pltpu.sync_copy(bnc_b, bo_sh.at[pl.ds(sbase, _STAGE)])
            plsc.subcore_barrier()
        cp_u = pltpu.async_copy(uni_sh.at[cur_r], uni_r, s_u)
        cp_o = pltpu.async_copy(bo_sh.at[prev_r], bo_r, s_o)
        copies.append((cp_u, cp_o, cp_g, cp_f))

    for q in range(_NQ):
        _, _, _, uni_r, bo_r, bg_r, fnd_r = bufs[7 * q:7 * q + 7]
        cp_u, cp_o, cp_g, cp_f = copies[q]
        with jax.named_scope("wait_q"):
            cp_u.wait()
            cp_o.wait()
            cp_g.wait()
            cp_f.wait()
        with jax.named_scope("blend"):
            blend_quarter(q * _ROWS_Q, uni_r, bo_r, bg_r, fnd_r)

    with jax.named_scope("out"):
        pltpu.sync_copy(out_v, out_hbm.at[pl.ds(row0, _ROWS_W)])


@jax.jit
def _lm(x, uni, bo, bg, fnd):
    quarter_bufs = [
        pltpu.VMEM((_PER_Q,), jnp.int32),
        pltpu.VMEM((_PER_Q,), jnp.int32),
        pltpu.VMEM((_PER_Q,), jnp.int32),
        pltpu.VMEM((_PER_Q,), jnp.float32),
        pltpu.VMEM((_PER_Q,), jnp.float32),
        pltpu.VMEM((_PER_Q,), jnp.float32),
        pltpu.VMEM((_PER_Q,), jnp.float32),
    ]
    run = pl.kernel(
        _lm_body,
        out_type=jax.ShapeDtypeStruct((_B, _L - 1), jnp.float32),
        mesh=plsc.VectorSubcoreMesh(core_axis_name="c", subcore_axis_name="s"),
        scratch_types=(
            [pltpu.VMEM((_ROWS_W, _L), jnp.int32),
             pltpu.VMEM((_ROWS_W, _L - 1), jnp.float32),
             pltpu.VMEM((_STAGE,), jnp.float32),
             pltpu.VMEM((_STAGE,), jnp.float32),
             pltpu.VMEM_SHARED((_VOCAB,), jnp.float32),
             pltpu.VMEM_SHARED((_VOCAB,), jnp.float32)]
            + quarter_bufs * _NQ
            + [pltpu.SemaphoreType.DMA] * (3 + 4 * _NQ)
        ),
    )
    return run(x, uni, bo, bg, fnd)


def kernel(x, unigram_logp, unigram_backoff, bigram_logp, bigram_found):
    return _lm(x.astype(jnp.int32), unigram_logp, unigram_backoff,
               bigram_logp, bigram_found)

# --- scband reference (transcript-rebuilt; emitter-appended) ---
"""Pipeline reference for scband-ken-lm-20392504721794 (READ-ONLY COPY).

The authoritative reference and input builder live on the scoring server;
editing this copy changes nothing except your own understanding.
"""

import jax, jax.numpy as jnp
import numpy as np

VOCAB = 100000
HASH_SIZE = 4194304  # 2^22 hashed bigram table
B = 4096
L = 50


def setup_inputs(seed: int = 0) -> dict:
    key = jax.random.key(seed)
    k1, k2, k3, k4, k5 = jax.random.split(key, 5)
    # token index sequences (forward arg)
    x = jax.random.randint(k1, (B, L), 0, VOCAB, dtype=jnp.int64)
    # learned / loaded ARPA tables (materialized parameters)
    unigram_logp = -10.0 * jax.random.uniform(k2, (VOCAB,), dtype=jnp.float32) - 0.1
    unigram_backoff = -1.0 * jax.random.uniform(k3, (VOCAB,), dtype=jnp.float32)
    bigram_logp = -8.0 * jax.random.uniform(k4, (HASH_SIZE,), dtype=jnp.float32) - 0.05
    bigram_found = (jax.random.uniform(k5, (HASH_SIZE,), dtype=jnp.float32) < 0.3).astype(jnp.float32)
    return {
        "x": x,
        "unigram_logp": unigram_logp,
        "unigram_backoff": unigram_backoff,
        "bigram_logp": bigram_logp,
        "bigram_found": bigram_found,
    }


def reference(x, unigram_logp, unigram_backoff, bigram_logp, bigram_found):
    # Backoff bigram LM logprob: for each adjacent pair (prev, cur),
    #   if bigram present in (hashed) table: use bigram logprob
    #   else: backoff(prev) + unigram(cur)
    prev = x[:, :-1]
    cur = x[:, 1:]
    h = (prev * 1000003 + cur) % HASH_SIZE
    bg_lp = jnp.take(bigram_logp, h)          # gather from hashed bigram table
    found = jnp.take(bigram_found, h)          # 0/1 presence mask
    uni_lp = jnp.take(unigram_logp, cur)       # gather unigram logprob
    bo_w = jnp.take(unigram_backoff, prev)     # gather backoff weight
    backoff_lp = bo_w + uni_lp
    logprob = found * bg_lp + (1.0 - found) * backoff_lp
    return logprob  # [B, L-1] per-token logprobs

if __name__ == "__main__":
    import jax
    _d = setup_inputs()
    print(jax.jit(kernel)(*tuple(_d.values())))

</pallas_src>

<mosaic_0001>
#map = affine_map<(d0, d1) -> (0, 0)>
#map1 = affine_map<(d0, d1) -> (0)>
module attributes {stable_mosaic.version = 14 : i64} {
  func.func @_lm_body(%arg0: i32, %arg1: i32, %arg2: memref<4096x50xi32, #tpu.memory_space<hbm>>, %arg3: memref<100000xf32, #tpu.memory_space<hbm>>, %arg4: memref<100000xf32, #tpu.memory_space<hbm>>, %arg5: memref<4194304xf32, #tpu.memory_space<hbm>>, %arg6: memref<4194304xf32, #tpu.memory_space<hbm>>, %arg7: memref<4096x49xf32, #tpu.memory_space<hbm>>, %arg8: memref<128x50xi32, #tpu.memory_space<vmem>>, %arg9: memref<128x49xf32, #tpu.memory_space<vmem>>, %arg10: memref<6256xf32, #tpu.memory_space<vmem>>, %arg11: memref<6256xf32, #tpu.memory_space<vmem>>, %arg12: memref<100000xf32, #tpu.memory_space<vmem_shared>>, %arg13: memref<100000xf32, #tpu.memory_space<vmem_shared>>, %arg14: memref<1568xi32, #tpu.memory_space<vmem>>, %arg15: memref<1568xi32, #tpu.memory_space<vmem>>, %arg16: memref<1568xi32, #tpu.memory_space<vmem>>, %arg17: memref<1568xf32, #tpu.memory_space<vmem>>, %arg18: memref<1568xf32, #tpu.memory_space<vmem>>, %arg19: memref<1568xf32, #tpu.memory_space<vmem>>, %arg20: memref<1568xf32, #tpu.memory_space<vmem>>, %arg21: memref<1568xi32, #tpu.memory_space<vmem>>, %arg22: memref<1568xi32, #tpu.memory_space<vmem>>, %arg23: memref<1568xi32, #tpu.memory_space<vmem>>, %arg24: memref<1568xf32, #tpu.memory_space<vmem>>, %arg25: memref<1568xf32, #tpu.memory_space<vmem>>, %arg26: memref<1568xf32, #tpu.memory_space<vmem>>, %arg27: memref<1568xf32, #tpu.memory_space<vmem>>, %arg28: memref<1568xi32, #tpu.memory_space<vmem>>, %arg29: memref<1568xi32, #tpu.memory_space<vmem>>, %arg30: memref<1568xi32, #tpu.memory_space<vmem>>, %arg31: memref<1568xf32, #tpu.memory_space<vmem>>, %arg32: memref<1568xf32, #tpu.memory_space<vmem>>, %arg33: memref<1568xf32, #tpu.memory_space<vmem>>, %arg34: memref<1568xf32, #tpu.memory_space<vmem>>, %arg35: memref<1568xi32, #tpu.memory_space<vmem>>, %arg36: memref<1568xi32, #tpu.memory_space<vmem>>, %arg37: memref<1568xi32, #tpu.memory_space<vmem>>, %arg38: memref<1568xf32, #tpu.memory_space<vmem>>, %arg39: memref<1568xf32, #tpu.memory_space<vmem>>, %arg40: memref<1568xf32, #tpu.memory_space<vmem>>, %arg41: memref<1568xf32, #tpu.memory_space<vmem>>, %arg42: memref<!tpu.dma_semaphore, #tpu.memory_space<semaphore_mem>>, %arg43: memref<!tpu.dma_semaphore, #tpu.memory_space<semaphore_mem>>, %arg44: memref<!tpu.dma_semaphore, #tpu.memory_space<semaphore_mem>>, %arg45: memref<!tpu.dma_semaphore, #tpu.memory_space<semaphore_mem>>, %arg46: memref<!tpu.dma_semaphore, #tpu.memory_space<semaphore_mem>>, %arg47: memref<!tpu.dma_semaphore, #tpu.memory_space<semaphore_mem>>, %arg48: memref<!tpu.dma_semaphore, #tpu.memory_space<semaphore_mem>>, %arg49: memref<!tpu.dma_semaphore, #tpu.memory_space<semaphore_mem>>, %arg50: memref<!tpu.dma_semaphore, #tpu.memory_space<semaphore_mem>>, %arg51: memref<!tpu.dma_semaphore, #tpu.memory_space<semaphore_mem>>, %arg52: memref<!tpu.dma_semaphore, #tpu.memory_space<semaphore_mem>>, %arg53: memref<!tpu.dma_semaphore, #tpu.memory_space<semaphore_mem>>, %arg54: memref<!tpu.dma_semaphore, #tpu.memory_space<semaphore_mem>>, %arg55: memref<!tpu.dma_semaphore, #tpu.memory_space<semaphore_mem>>, %arg56: memref<!tpu.dma_semaphore, #tpu.memory_space<semaphore_mem>>, %arg57: memref<!tpu.dma_semaphore, #tpu.memory_space<semaphore_mem>>, %arg58: memref<!tpu.dma_semaphore, #tpu.memory_space<semaphore_mem>>, %arg59: memref<!tpu.dma_semaphore, #tpu.memory_space<semaphore_mem>>, %arg60: memref<!tpu.dma_semaphore, #tpu.memory_space<semaphore_mem>>) attributes {dimension_semantics = [#tpu.dimension_semantics<core_parallel>, #tpu.dimension_semantics<subcore_parallel>], iteration_bounds = array<i64: 2, 16>, scalar_prefetch = 0 : i64, scratch_operands = 53 : i64, tpu.core_type = #tpu.core_type<sc_vector_subcore>, window_params = [{transform_indices = #map}, {transform_indices = #map1}, {transform_indices = #map1}, {transform_indices = #map1}, {transform_indices = #map1}, {transform_indices = #map}]} {
    %mul3A = arith.constant 2 : i32
    %mul3A_0 = arith.muli %arg1, %mul3A : i32
    %add3A = arith.addi %mul3A_0, %arg0 : i32
    %mul3A_1 = arith.constant 128 : i32
    %mul3A_2 = arith.muli %add3A, %mul3A_1 : i32
    %mul3A_3 = arith.constant 6256 : i32
    %mul3A_4 = arith.muli %arg1, %mul3A_3 : i32
    %min3A = arith.constant 93744 : i32
    %min3A_5 = arith.minsi %mul3A_4, %min3A : i32
    %dma_start3A = tpu.memref_slice %arg3[%min3A_5] : memref<100000xf32, #tpu.memory_space<hbm>> -> memref<6256xf32, #tpu.memory_space<hbm>>
    %dma_start3A_6 = tpu.memref_slice %arg3[%min3A_5] : memref<100000xf32, #tpu.memory_space<hbm>> -> memref<6256xf32, #tpu.memory_space<hbm>>
    tpu.enqueue_dma source(%dma_start3A_6 : memref<6256xf32, #tpu.memory_space<hbm>>) target(%arg10 : memref<6256xf32, #tpu.memory_space<vmem>>) target_semaphore(%arg43 : memref<!tpu.dma_semaphore, #tpu.memory_space<semaphore_mem>>)
    %dma_start3A_7 = tpu.memref_slice %arg4[%min3A_5] : memref<100000xf32, #tpu.memory_space<hbm>> -> memref<6256xf32, #tpu.memory_space<hbm>>
    %dma_start3A_8 = tpu.memref_slice %arg4[%min3A_5] : memref<100000xf32, #tpu.memory_space<hbm>> -> memref<6256xf32, #tpu.memory_space<hbm>>
    tpu.enqueue_dma source(%dma_start3A_8 : memref<6256xf32, #tpu.memory_space<hbm>>) target(%arg11 : memref<6256xf32, #tpu.memory_space<vmem>>) target_semaphore(%arg44 : memref<!tpu.dma_semaphore, #tpu.memory_space<semaphore_mem>>)
    %dma_start3A_9 = arith.constant 0 : i32
    %dma_start3A_10 = tpu.memref_slice %arg2[%mul3A_2, %dma_start3A_9] : memref<4096x50xi32, #tpu.memory_space<hbm>> -> memref<128x50xi32, #tpu.memory_space<hbm>>
    %dma_start3A_11 = arith.constant 0 : i32
    %dma_start3A_12 = tpu.memref_slice %arg2[%mul3A_2, %dma_start3A_11] : memref<4096x50xi32, #tpu.memory_space<hbm>> -> memref<128x50xi32, #tpu.memory_space<hbm>>
    tpu.enqueue_dma source(%dma_start3A_12 : memref<128x50xi32, #tpu.memory_space<hbm>>) target(%arg8 : memref<128x50xi32, #tpu.memory_space<vmem>>) target_semaphore(%arg42 : memref<!tpu.dma_semaphore, #tpu.memory_space<semaphore_mem>>)
    "tpu.trace_start"() <{level = 10 : i32, message = "wait_x"}> : () -> ()
    %dma_wait3A = arith.constant 0 : i32
    %dma_wait3A_13 = tpu.memref_slice %arg2[%mul3A_2, %dma_wait3A] : memref<4096x50xi32, #tpu.memory_space<hbm>> -> memref<128x50xi32, #tpu.memory_space<hbm>>
    %dma_wait3A_14 = arith.constant 0 : i32
    %dma_wait3A_15 = tpu.memref_slice %arg2[%mul3A_2, %dma_wait3A_14] : memref<4096x50xi32, #tpu.memory_space<hbm>> -> memref<128x50xi32, #tpu.memory_space<hbm>>
    tpu.wait_dma2 semaphore(%arg42 : memref<!tpu.dma_semaphore, #tpu.memory_space<semaphore_mem>>) src(%dma_wait3A_15 : memref<128x50xi32, #tpu.memory_space<hbm>>) dst(%arg8 : memref<128x50xi32, #tpu.memory_space<vmem>>)
    "tpu.trace_stop"() : () -> ()
    "tpu.trace_start"() <{level = 10 : i32, message = "unpack"}> : () -> ()
    %scan3A = arith.constant 0 : i32
    %scan3A_16 = arith.constant 0 : i32
    %scan3A_17 = arith.constant 32 : i32
    %scan3A_18 = arith.addi %scan3A_16, %scan3A_17 : i32
    %scan3A_19 = arith.constant 1 : i32
    %scan3A_20 = scf.for %scan3A_139 = %scan3A_16 to %scan3A_18 step %scan3A_19 iter_args(%scan3A_140 = %scan3A) -> (i32)  : i32 {
      %add3A_141 = arith.constant 0 : i32
      %add3A_142 = arith.addi %add3A_141, %scan3A_139 : i32
      %get3A = arith.index_cast %add3A_142 : i32 to index
      %get3A_143 = arith.constant 0 : index
      %get3A_144 = tpu.vector_load %arg8[%get3A, %get3A_143] {strides = array<i32>} : memref<128x50xi32, #tpu.memory_space<vmem>>, vector<1x16xi32>,
      %get3A_145 = vector.shape_cast %get3A_144 : vector<1x16xi32> to vector<16xi32>
      %add3A_146 = arith.constant 0 : i32
      %add3A_147 = arith.addi %add3A_146, %scan3A_139 : i32
      %get3A_148 = arith.index_cast %add3A_147 : i32 to index
      %get3A_149 = arith.constant 1 : index
      %get3A_150 = tpu.vector_load %arg8[%get3A_148, %get3A_149] {strides = array<i32>} : memref<128x50xi32, #tpu.memory_space<vmem>>, vector<1x16xi32>,
      %get3A_151 = vector.shape_cast %get3A_150 : vector<1x16xi32> to vector<16xi32>
      %mul3A_152 = arith.constant 49 : i32
      %mul3A_153 = arith.muli %scan3A_139, %mul3A_152 : i32
      %add3A_154 = arith.constant 0 : i32
      %add3A_155 = arith.addi %mul3A_153, %add3A_154 : i32
      %swap3A = arith.index_cast %add3A_155 : i32 to index
      %swap3A_156 = tpu.vector_load %arg14[%swap3A] {strides = array<i32>} : memref<1568xi32, #tpu.memory_space<vmem>>, vector<16xi32>,
      %swap3A_157 = vector.shape_cast %swap3A_156 : vector<16xi32> to vector<16xi32>
      %swap3A_158 = vector.shape_cast %get3A_145 : vector<16xi32> to vector<16xi32>
      tpu.vector_store %arg14[%swap3A], %swap3A_158 {strides = array<i32>} : memref<1568xi32, #tpu.memory_space<vmem>>, vector<16xi32>,
      %swap3A_159 = arith.index_cast %add3A_155 : i32 to index
      %swap3A_160 = tpu.vector_load %arg15[%swap3A_159] {strides = array<i32>} : memref<1568xi32, #tpu.memory_space<vmem>>, vector<16xi32>,
      %swap3A_161 = vector.shape_cast %swap3A_160 : vector<16xi32> to vector<16xi32>
      %swap3A_162 = vector.shape_cast %get3A_151 : vector<16xi32> to vector<16xi32>
      tpu.vector_store %arg15[%swap3A_159], %swap3A_162 {strides = array<i32>} : memref<1568xi32, #tpu.memory_space<vmem>>, vector<16xi32>,
      %mul3A_163 = arith.constant 1000003 : i32
      %mul3A_164 = vector.broadcast %mul3A_163 : i32 to vector<16xi32>
      %mul3A_165 = arith.muli %get3A_145, %mul3A_164 : vector<16xi32>
      %add3A_166 = arith.addi %mul3A_165, %get3A_151 : vector<16xi32>
      %and3A = arith.constant 4194303 : i32
      %and3A_167 = vector.broadcast %and3A : i32 to vector<16xi32>
      %and3A_168 = arith.andi %add3A_166, %and3A_167 : vector<16xi32>
      %swap3A_169 = arith.index_cast %add3A_155 : i32 to index
      %swap3A_170 = tpu.vector_load %arg16[%swap3A_169] {strides = array<i32>} : memref<1568xi32, #tpu.memory_space<vmem>>, vector<16xi32>,
      %swap3A_171 = vector.shape_cast %swap3A_170 : vector<16xi32> to vector<16xi32>
      %swap3A_172 = vector.shape_cast %and3A_168 : vector<16xi32> to vector<16xi32>
      tpu.vector_store %arg16[%swap3A_169], %swap3A_172 {strides = array<i32>} : memref<1568xi32, #tpu.memory_space<vmem>>, vector<16xi32>,
      %add3A_173 = arith.constant 0 : i32
      %add3A_174 = arith.addi %add3A_173, %scan3A_139 : i32
      %get3A_175 = arith.index_cast %add3A_174 : i32 to index
      %get3A_176 = arith.constant 16 : index
      %get3A_177 = tpu.vector_load %arg8[%get3A_175, %get3A_176] {strides = array<i32>} : memref<128x50xi32, #tpu.memory_space<vmem>>, vector<1x16xi32>,
      %get3A_178 = vector.shape_cast %get3A_177 : vector<1x16xi32> to vector<16xi32>
      %add3A_179 = arith.constant 0 : i32
      %add3A_180 = arith.addi %add3A_179, %scan3A_139 : i32
      %get3A_181 = arith.index_cast %add3A_180 : i32 to index
      %get3A_182 = arith.constant 17 : index
      %get3A_183 = tpu.vector_load %arg8[%get3A_181, %get3A_182] {strides = array<i32>} : memref<128x50xi32, #tpu.memory_space<vmem>>, vector<1x16xi32>,
      %get3A_184 = vector.shape_cast %get3A_183 : vector<1x16xi32> to vector<16xi32>
      %mul3A_185 = arith.constant 49 : i32
      %mul3A_186 = arith.muli %scan3A_139, %mul3A_185 : i32
      %add3A_187 = arith.constant 16 : i32
      %add3A_188 = arith.addi %mul3A_186, %add3A_187 : i32
      %swap3A_189 = arith.index_cast %add3A_188 : i32 to index
      %swap3A_190 = tpu.vector_load %arg14[%swap3A_189] {strides = array<i32>} : memref<1568xi32, #tpu.memory_space<vmem>>, vector<16xi32>,
      %swap3A_191 = vector.shape_cast %swap3A_190 : vector<16xi32> to vector<16xi32>
      %swap3A_192 = vector.shape_cast %get3A_178 : vector<16xi32> to vector<16xi32>
      tpu.vector_store %arg14[%swap3A_189], %swap3A_192 {strides = array<i32>} : memref<1568xi32, #tpu.memory_space<vmem>>, vector<16xi32>,
      %swap3A_193 = arith.index_cast %add3A_188 : i32 to index
      %swap3A_194 = tpu.vector_load %arg15[%swap3A_193] {strides = array<i32>} : memref<1568xi32, #tpu.memory_space<vmem>>, vector<16xi32>,
      %swap3A_195 = vector.shape_cast %swap3A_194 : vector<16xi32> to vector<16xi32>
      %swap3A_196 = vector.shape_cast %get3A_184 : vector<16xi32> to vector<16xi32>
      tpu.vector_store %arg15[%swap3A_193], %swap3A_196 {strides = array<i32>} : memref<1568xi32, #tpu.memory_space<vmem>>, vector<16xi32>,
      %mul3A_197 = arith.constant 1000003 : i32
      %mul3A_198 = vector.broadcast %mul3A_197 : i32 to vector<16xi32>
      %mul3A_199 = arith.muli %get3A_178, %mul3A_198 : vector<16xi32>
      %add3A_200 = arith.addi %mul3A_199, %get3A_184 : vector<16xi32>
      %and3A_201 = arith.constant 4194303 : i32
      %and3A_202 = vector.broadcast %and3A_201 : i32 to vector<16xi32>
      %and3A_203 = arith.andi %add3A_200, %and3A_202 : vector<16xi32>
      %swap3A_204 = arith.index_cast %add3A_188 : i32 to index
      %swap3A_205 = tpu.vector_load %arg16[%swap3A_204] {strides = array<i32>} : memref<1568xi32, #tpu.memory_space<vmem>>, vector<16xi32>,
      %swap3A_206 = vector.shape_cast %swap3A_205 : vector<16xi32> to vector<16xi32>
      %swap3A_207 = vector.shape_cast %and3A_203 : vector<16xi32> to vector<16xi32>
      tpu.vector_store %arg16[%swap3A_204], %swap3A_207 {strides = array<i32>} : memref<1568xi32, #tpu.memory_space<vmem>>, vector<16xi32>,
      %add3A_208 = arith.constant 0 : i32
      %add3A_209 = arith.addi %add3A_208, %scan3A_139 : i32
      %get3A_210 = arith.index_cast %add3A_209 : i32 to index
      %get3A_211 = arith.constant 32 : index
      %get3A_212 = tpu.vector_load %arg8[%get3A_210, %get3A_211] {strides = array<i32>} : memref<128x50xi32, #tpu.memory_space<vmem>>, vector<1x16xi32>,
      %get3A_213 = vector.shape_cast %get3A_212 : vector<1x16xi32> to vector<16xi32>
      %add3A_214 = arith.constant 0 : i32
      %add3A_215 = arith.addi %add3A_214, %scan3A_139 : i32
      %get3A_216 = arith.index_cast %add3A_215 : i32 to index
      %get3A_217 = arith.constant 33 : index
      %get3A_218 = tpu.vector_load %arg8[%get3A_216, %get3A_217] {strides = array<i32>} : memref<128x50xi32, #tpu.memory_space<vmem>>, vector<1x16xi32>,
      %get3A_219 = vector.shape_cast %get3A_218 : vector<1x16xi32> to vector<16xi32>
      %mul3A_220 = arith.constant 49 : i32
      %mul3A_221 = arith.muli %scan3A_139, %mul3A_220 : i32
      %add3A_222 = arith.constant 32 : i32
      %add3A_223 = arith.addi %mul3A_221, %add3A_222 : i32
      %swap3A_224 = arith.index_cast %add3A_223 : i32 to index
      %swap3A_225 = tpu.vector_load %arg14[%swap3A_224] {strides = array<i32>} : memref<1568xi32, #tpu.memory_space<vmem>>, vector<16xi32>,
      %swap3A_226 = vector.shape_cast %swap3A_225 : vector<16xi32> to vector<16xi32>
      %swap3A_227 = vector.shape_cast %get3A_213 : vector<16xi32> to vector<16xi32>
      tpu.vector_store %arg14[%swap3A_224], %swap3A_227 {strides = array<i32>} : memref<1568xi32, #tpu.memory_space<vmem>>, vector<16xi32>,
      %swap3A_228 = arith.index_cast %add3A_223 : i32 to index
      %swap3A_229 = tpu.vector_load %arg15[%swap3A_228] {strides = array<i32>} : memref<1568xi32, #tpu.memory_space<vmem>>, vector<16xi32>,
      %swap3A_230 = vector.shape_cast %swap3A_229 : vector<16xi32> to vector<16xi32>
      %swap3A_231 = vector.shape_cast %get3A_219 : vector<16xi32> to vector<16xi32>
      tpu.vector_store %arg15[%swap3A_228], %swap3A_231 {strides = array<i32>} : memref<1568xi32, #tpu.memory_space<vmem>>, vector<16xi32>,
      %mul3A_232 = arith.constant 1000003 : i32
      %mul3A_233 = vector.broadcast %mul3A_232 : i32 to vector<16xi32>
      %mul3A_234 = arith.muli %get3A_213, %mul3A_233 : vector<16xi32>
      %add3A_235 = arith.addi %mul3A_234, %get3A_219 : vector<16xi32>
      %and3A_236 = arith.constant 4194303 : i32
      %and3A_237 = vector.broadcast %and3A_236 : i32 to vector<16xi32>
      %and3A_238 = arith.andi %add3A_235, %and3A_237 : vector<16xi32>
      %swap3A_239 = arith.index_cast %add3A_223 : i32 to index
      %swap3A_240 = tpu.vector_load %arg16[%swap3A_239] {strides = array<i32>} : memref<1568xi32, #tpu.memory_space<vmem>>, vector<16xi32>,
      %swap3A_241 = vector.shape_cast %swap3A_240 : vector<16xi32> to vector<16xi32>
      %swap3A_242 = vector.shape_cast %and3A_238 : vector<16xi32> to vector<16xi32>
      tpu.vector_store %arg16[%swap3A_239], %swap3A_242 {strides = array<i32>} : memref<1568xi32, #tpu.memory_space<vmem>>, vector<16xi32>,
      %add3A_243 = arith.constant 0 : i32
      %add3A_244 = arith.addi %add3A_243, %scan3A_139 : i32
      %get3A_245 = arith.index_cast %add3A_244 : i32 to index
      %get3A_246 = arith.constant 33 : index
      %get3A_247 = tpu.vector_load %arg8[%get3A_245, %get3A_246] {strides = array<i32>} : memref<128x50xi32, #tpu.memory_space<vmem>>, vector<1x16xi32>,
      %get3A_248 = vector.shape_cast %get3A_247 : vector<1x16xi32> to vector<16xi32>
      %add3A_249 = arith.constant 0 : i32
      %add3A_250 = arith.addi %add3A_249, %scan3A_139 : i32
      %get3A_251 = arith.index_cast %add3A_250 : i32 to index
      %get3A_252 = arith.constant 34 : index
      %get3A_253 = tpu.vector_load %arg8[%get3A_251, %get3A_252] {strides = array<i32>} : memref<128x50xi32, #tpu.memory_space<vmem>>, vector<1x16xi32>,
      %get3A_254 = vector.shape_cast %get3A_253 : vector<1x16xi32> to vector<16xi32>
      %mul3A_255 = arith.constant 49 : i32
      %mul3A_256 = arith.muli %scan3A_139, %mul3A_255 : i32
      %add3A_257 = arith.constant 33 : i32
      %add3A_258 = arith.addi %mul3A_256, %add3A_257 : i32
      %swap3A_259 = arith.index_cast %add3A_258 : i32 to index
      %swap3A_260 = tpu.vector_load %arg14[%swap3A_259] {strides = array<i32>} : memref<1568xi32, #tpu.memory_space<vmem>>, vector<16xi32>,
      %swap3A_261 = vector.shape_cast %swap3A_260 : vector<16xi32> to vector<16xi32>
      %swap3A_262 = vector.shape_cast %get3A_248 : vector<16xi32> to vector<16xi32>
      tpu.vector_store %arg14[%swap3A_259], %swap3A_262 {strides = array<i32>} : memref<1568xi32, #tpu.memory_space<vmem>>, vector<16xi32>,
      %swap3A_263 = arith.index_cast %add3A_258 : i32 to index
      %swap3A_264 = tpu.vector_load %arg15[%swap3A_263] {strides = array<i32>} : memref<1568xi32, #tpu.memory_space<vmem>>, vector<16xi32>,
      %swap3A_265 = vector.shape_cast %swap3A_264 : vector<16xi32> to vector<16xi32>
      %swap3A_266 = vector.shape_cast %get3A_254 : vector<16xi32> to vector<16xi32>
      tpu.vector_store %arg15[%swap3A_263], %swap3A_266 {strides = array<i32>} : memref<1568xi32, #tpu.memory_space<vmem>>, vector<16xi32>,
      %mul3A_267 = arith.constant 1000003 : i32
      %mul3A_268 = vector.broadcast %mul3A_267 : i32 to vector<16xi32>
      %mul3A_269 = arith.muli %get3A_248, %mul3A_268 : vector<16xi32>
      %add3A_270 = arith.addi %mul3A_269, %get3A_254 : vector<16xi32>
      %and3A_271 = arith.constant 4194303 : i32
      %and3A_272 = vector.broadcast %and3A_271 : i32 to vector<16xi32>
      %and3A_273 = arith.andi %add3A_270, %and3A_272 : vector<16xi32>
      %swap3A_274 = arith.index_cast %add3A_258 : i32 to index
      %swap3A_275 = tpu.vector_load %arg16[%swap3A_274] {strides = array<i32>} : memref<1568xi32, #tpu.memory_space<vmem>>, vector<16xi32>,
      %swap3A_276 = vector.shape_cast %swap3A_275 : vector<16xi32> to vector<16xi32>
      %swap3A_277 = vector.shape_cast %and3A_273 : vector<16xi32> to vector<16xi32>
      tpu.vector_store %arg16[%swap3A_274], %swap3A_277 {strides = array<i32>} : memref<1568xi32, #tpu.memory_space<vmem>>, vector<16xi32>,
      %scan3A_278 = arith.constant 0 : i32
      scf.yield %scan3A_278 : i32
    }
    %scan3A_21 = arith.constant 32 : i32
    "tpu.trace_stop"() : () -> ()
    %dma_start3A_22 = arith.constant 0 : i32
    %dma_start3A_23 = tpu.memref_slice %arg5[%dma_start3A_22] : memref<4194304xf32, #tpu.memory_space<hbm>> -> memref<4194304xf32, #tpu.memory_space<hbm>>
    tpu.enqueue_indirect_dma source(%dma_start3A_23 : memref<4194304xf32, #tpu.memory_space<hbm>>) target(%arg19 : memref<1568xf32, #tpu.memory_space<vmem>>) offsets(%arg16 : memref<1568xi32, #tpu.memory_space<vmem>>) semaphore(%arg47 : memref<!tpu.dma_semaphore, #tpu.memory_space<semaphore_mem>>)
    %dma_start3A_24 = arith.constant 0 : i32
    %dma_start3A_25 = tpu.memref_slice %arg6[%dma_start3A_24] : memref<4194304xf32, #tpu.memory_space<hbm>> -> memref<4194304xf32, #tpu.memory_space<hbm>>
    tpu.enqueue_indirect_dma source(%dma_start3A_25 : memref<4194304xf32, #tpu.memory_space<hbm>>) target(%arg20 : memref<1568xf32, #tpu.memory_space<vmem>>) offsets(%arg16 : memref<1568xi32, #tpu.memory_space<vmem>>) semaphore(%arg48 : memref<!tpu.dma_semaphore, #tpu.memory_space<semaphore_mem>>)
    "tpu.trace_start"() <{level = 10 : i32, message = "publish"}> : () -> ()
    %dma_wait3A_26 = tpu.memref_slice %arg3[%min3A_5] : memref<100000xf32, #tpu.memory_space<hbm>> -> memref<6256xf32, #tpu.memory_space<hbm>>
    %dma_wait3A_27 = tpu.memref_slice %arg3[%min3A_5] : memref<100000xf32, #tpu.memory_space<hbm>> -> memref<6256xf32, #tpu.memory_space<hbm>>
    tpu.wait_dma2 semaphore(%arg43 : memref<!tpu.dma_semaphore, #tpu.memory_space<semaphore_mem>>) src(%dma_wait3A_27 : memref<6256xf32, #tpu.memory_space<hbm>>) dst(%arg10 : memref<6256xf32, #tpu.memory_space<vmem>>)
    "tpu.region"() ({
      %run_scoped3A = tpu.sem_alloc : memref<!tpu.dma_semaphore, #tpu.memory_space<semaphore_mem>>
      %dma_start3A_139 = tpu.memref_slice %arg12[%min3A_5] : memref<100000xf32, #tpu.memory_space<vmem_shared>> -> memref<6256xf32, #tpu.memory_space<vmem_shared>>
      %dma_start3A_140 = tpu.memref_slice %arg12[%min3A_5] : memref<100000xf32, #tpu.memory_space<vmem_shared>> -> memref<6256xf32, #tpu.memory_space<vmem_shared>>
      tpu.enqueue_dma source(%arg10 : memref<6256xf32, #tpu.memory_space<vmem>>) target(%dma_start3A_140 : memref<6256xf32, #tpu.memory_space<vmem_shared>>) target_semaphore(%run_scoped3A : memref<!tpu.dma_semaphore, #tpu.memory_space<semaphore_mem>>)
      %dma_wait3A_141 = tpu.memref_slice %arg12[%min3A_5] : memref<100000xf32, #tpu.memory_space<vmem_shared>> -> memref<6256xf32, #tpu.memory_space<vmem_shared>>
      %dma_wait3A_142 = tpu.memref_slice %arg12[%min3A_5] : memref<100000xf32, #tpu.memory_space<vmem_shared>> -> memref<6256xf32, #tpu.memory_space<vmem_shared>>
      tpu.wait_dma2 semaphore(%run_scoped3A : memref<!tpu.dma_semaphore, #tpu.memory_space<semaphore_mem>>) src(%arg10 : memref<6256xf32, #tpu.memory_space<vmem>>) dst(%dma_wait3A_142 : memref<6256xf32, #tpu.memory_space<vmem_shared>>)
      tpu.yield
    }) : () -> ()
    %dma_wait3A_28 = tpu.memref_slice %arg4[%min3A_5] : memref<100000xf32, #tpu.memory_space<hbm>> -> memref<6256xf32, #tpu.memory_space<hbm>>
    %dma_wait3A_29 = tpu.memref_slice %arg4[%min3A_5] : memref<100000xf32, #tpu.memory_space<hbm>> -> memref<6256xf32, #tpu.memory_space<hbm>>
    tpu.wait_dma2 semaphore(%arg44 : memref<!tpu.dma_semaphore, #tpu.memory_space<semaphore_mem>>) src(%dma_wait3A_29 : memref<6256xf32, #tpu.memory_space<hbm>>) dst(%arg11 : memref<6256xf32, #tpu.memory_space<vmem>>)
    "tpu.region"() ({
      %run_scoped3A = tpu.sem_alloc : memref<!tpu.dma_semaphore, #tpu.memory_space<semaphore_mem>>
      %dma_start3A_139 = tpu.memref_slice %arg13[%min3A_5] : memref<100000xf32, #tpu.memory_space<vmem_shared>> -> memref<6256xf32, #tpu.memory_space<vmem_shared>>
      %dma_start3A_140 = tpu.memref_slice %arg13[%min3A_5] : memref<100000xf32, #tpu.memory_space<vmem_shared>> -> memref<6256xf32, #tpu.memory_space<vmem_shared>>
      tpu.enqueue_dma source(%arg11 : memref<6256xf32, #tpu.memory_space<vmem>>) target(%dma_start3A_140 : memref<6256xf32, #tpu.memory_space<vmem_shared>>) target_semaphore(%run_scoped3A : memref<!tpu.dma_semaphore, #tpu.memory_space<semaphore_mem>>)
      %dma_wait3A_141 = tpu.memref_slice %arg13[%min3A_5] : memref<100000xf32, #tpu.memory_space<vmem_shared>> -> memref<6256xf32, #tpu.memory_space<vmem_shared>>
      %dma_wait3A_142 = tpu.memref_slice %arg13[%min3A_5] : memref<100000xf32, #tpu.memory_space<vmem_shared>> -> memref<6256xf32, #tpu.memory_space<vmem_shared>>
      tpu.wait_dma2 semaphore(%run_scoped3A : memref<!tpu.dma_semaphore, #tpu.memory_space<semaphore_mem>>) src(%arg11 : memref<6256xf32, #tpu.memory_space<vmem>>) dst(%dma_wait3A_142 : memref<6256xf32, #tpu.memory_space<vmem_shared>>)
      tpu.yield
    }) : () -> ()
    "tpu.trace_stop"() : () -> ()
    %barrier3A = arith.constant 0 : index
    tpu.barrier barrier_id(%barrier3A)
    %dma_start3A_30 = arith.constant 0 : i32
    %dma_start3A_31 = tpu.memref_slice %arg12[%dma_start3A_30] : memref<100000xf32, #tpu.memory_space<vmem_shared>> -> memref<100000xf32, #tpu.memory_space<vmem_shared>>
    tpu.enqueue_indirect_dma source(%dma_start3A_31 : memref<100000xf32, #tpu.memory_space<vmem_shared>>) target(%arg17 : memref<1568xf32, #tpu.memory_space<vmem>>) offsets(%arg15 : memref<1568xi32, #tpu.memory_space<vmem>>) semaphore(%arg45 : memref<!tpu.dma_semaphore, #tpu.memory_space<semaphore_mem>>)
    %dma_start3A_32 = arith.constant 0 : i32
    %dma_start3A_33 = tpu.memref_slice %arg13[%dma_start3A_32] : memref<100000xf32, #tpu.memory_space<vmem_shared>> -> memref<100000xf32, #tpu.memory_space<vmem_shared>>
    tpu.enqueue_indirect_dma source(%dma_start3A_33 : memref<100000xf32, #tpu.memory_space<vmem_shared>>) target(%arg18 : memref<1568xf32, #tpu.memory_space<vmem>>) offsets(%arg14 : memref<1568xi32, #tpu.memory_space<vmem>>) semaphore(%arg46 : memref<!tpu.dma_semaphore, #tpu.memory_space<semaphore_mem>>)
    "tpu.trace_start"() <{level = 10 : i32, message = "unpack"}> : () -> ()
    %scan3A_34 = arith.constant 0 : i32
    %scan3A_35 = arith.constant 0 : i32
    %scan3A_36 = arith.constant 32 : i32
    %scan3A_37 = arith.addi %scan3A_35, %scan3A_36 : i32
    %scan3A_38 = arith.constant 1 : i32
    %scan3A_39 = scf.for %scan3A_139 = %scan3A_35 to %scan3A_37 step %scan3A_38 iter_args(%scan3A_140 = %scan3A_34) -> (i32)  : i32 {
      %add3A_141 = arith.constant 32 : i32
      %add3A_142 = arith.addi %add3A_141, %scan3A_139 : i32
      %get3A = arith.index_cast %add3A_142 : i32 to index
      %get3A_143 = arith.constant 0 : index
      %get3A_144 = tpu.vector_load %arg8[%get3A, %get3A_143] {strides = array<i32>} : memref<128x50xi32, #tpu.memory_space<vmem>>, vector<1x16xi32>,
      %get3A_145 = vector.shape_cast %get3A_144 : vector<1x16xi32> to vector<16xi32>
      %add3A_146 = arith.constant 32 : i32
      %add3A_147 = arith.addi %add3A_146, %scan3A_139 : i32
      %get3A_148 = arith.index_cast %add3A_147 : i32 to index
      %get3A_149 = arith.constant 1 : index
      %get3A_150 = tpu.vector_load %arg8[%get3A_148, %get3A_149] {strides = array<i32>} : memref<128x50xi32, #tpu.memory_space<vmem>>, vector<1x16xi32>,
      %get3A_151 = vector.shape_cast %get3A_150 : vector<1x16xi32> to vector<16xi32>
      %mul3A_152 = arith.constant 49 : i32
      %mul3A_153 = arith.muli %scan3A_139, %mul3A_152 : i32
      %add3A_154 = arith.constant 0 : i32
      %add3A_155 = arith.addi %mul3A_153, %add3A_154 : i32
      %swap3A = arith.index_cast %add3A_155 : i32 to index
      %swap3A_156 = tpu.vector_load %arg21[%swap3A] {strides = array<i32>} : memref<1568xi32, #tpu.memory_space<vmem>>, vector<16xi32>,
      %swap3A_157 = vector.shape_cast %swap3A_156 : vector<16xi32> to vector<16xi32>
      %swap3A_158 = vector.shape_cast %get3A_145 : vector<16xi32> to vector<16xi32>
      tpu.vector_store %arg21[%swap3A], %swap3A_158 {strides = array<i32>} : memref<1568xi32, #tpu.memory_space<vmem>>, vector<16xi32>,
      %swap3A_159 = arith.index_cast %add3A_155 : i32 to index
      %swap3A_160 = tpu.vector_load %arg22[%swap3A_159] {strides = array<i32>} : memref<1568xi32, #tpu.memory_space<vmem>>, vector<16xi32>,
      %swap3A_161 = vector.shape_cast %swap3A_160 : vector<16xi32> to vector<16xi32>
      %swap3A_162 = vector.shape_cast %get3A_151 : vector<16xi32> to vector<16xi32>
      tpu.vector_store %arg22[%swap3A_159], %swap3A_162 {strides = array<i32>} : memref<1568xi32, #tpu.memory_space<vmem>>, vector<16xi32>,
      %mul3A_163 = arith.constant 1000003 : i32
      %mul3A_164 = vector.broadcast %mul3A_163 : i32 to vector<16xi32>
      %mul3A_165 = arith.muli %get3A_145, %mul3A_164 : vector<16xi32>
      %add3A_166 = arith.addi %mul3A_165, %get3A_151 : vector<16xi32>
      %and3A = arith.constant 4194303 : i32
      %and3A_167 = vector.broadcast %and3A : i32 to vector<16xi32>
      %and3A_168 = arith.andi %add3A_166, %and3A_167 : vector<16xi32>
      %swap3A_169 = arith.index_cast %add3A_155 : i32 to index
      %swap3A_170 = tpu.vector_load %arg23[%swap3A_169] {strides = array<i32>} : memref<1568xi32, #tpu.memory_space<vmem>>, vector<16xi32>,
      %swap3A_171 = vector.shape_cast %swap3A_170 : vector<16xi32> to vector<16xi32>
      %swap3A_172 = vector.shape_cast %and3A_168 : vector<16xi32> to vector<16xi32>
      tpu.vector_store %arg23[%swap3A_169], %swap3A_172 {strides = array<i32>} : memref<1568xi32, #tpu.memory_space<vmem>>, vector<16xi32>,
      %add3A_173 = arith.constant 32 : i32
      %add3A_174 = arith.addi %add3A_173, %scan3A_139 : i32
      %get3A_175 = arith.index_cast %add3A_174 : i32 to index
      %get3A_176 = arith.constant 16 : index
      %get3A_177 = tpu.vector_load %arg8[%get3A_175, %get3A_176] {strides = array<i32>} : memref<128x50xi32, #tpu.memory_space<vmem>>, vector<1x16xi32>,
      %get3A_178 = vector.shape_cast %get3A_177 : vector<1x16xi32> to vector<16xi32>
      %add3A_179 = arith.constant 32 : i32
      %add3A_180 = arith.addi %add3A_179, %scan3A_139 : i32
      %get3A_181 = arith.index_cast %add3A_180 : i32 to index
      %get3A_182 = arith.constant 17 : index
      %get3A_183 = tpu.vector_load %arg8[%get3A_181, %get3A_182] {strides = array<i32>} : memref<128x50xi32, #tpu.memory_space<vmem>>, vector<1x16xi32>,
      %get3A_184 = vector.shape_cast %get3A_183 : vector<1x16xi32> to vector<16xi32>
      %mul3A_185 = arith.constant 49 : i32
      %mul3A_186 = arith.muli %scan3A_139, %mul3A_185 : i32
      %add3A_187 = arith.constant 16 : i32
      %add3A_188 = arith.addi %mul3A_186, %add3A_187 : i32
      %swap3A_189 = arith.index_cast %add3A_188 : i32 to index
      %swap3A_190 = tpu.vector_load %arg21[%swap3A_189] {strides = array<i32>} : memref<1568xi32, #tpu.memory_space<vmem>>, vector<16xi32>,
      %swap3A_191 = vector.shape_cast %swap3A_190 : vector<16xi32> to vector<16xi32>
      %swap3A_192 = vector.shape_cast %get3A_178 : vector<16xi32> to vector<16xi32>
      tpu.vector_store %arg21[%swap3A_189], %swap3A_192 {strides = array<i32>} : memref<1568xi32, #tpu.memory_space<vmem>>, vector<16xi32>,
      %swap3A_193 = arith.index_cast %add3A_188 : i32 to index
      %swap3A_194 = tpu.vector_load %arg22[%swap3A_193] {strides = array<i32>} : memref<1568xi32, #tpu.memory_space<vmem>>, vector<16xi32>,
      %swap3A_195 = vector.shape_cast %swap3A_194 : vector<16xi32> to vector<16xi32>
      %swap3A_196 = vector.shape_cast %get3A_184 : vector<16xi32> to vector<16xi32>
      tpu.vector_store %arg22[%swap3A_193], %swap3A_196 {strides = array<i32>} : memref<1568xi32, #tpu.memory_space<vmem>>, vector<16xi32>,
      %mul3A_197 = arith.constant 1000003 : i32
      %mul3A_198 = vector.broadcast %mul3A_197 : i32 to vector<16xi32>
      %mul3A_199 = arith.muli %get3A_178, %mul3A_198 : vector<16xi32>
      %add3A_200 = arith.addi %mul3A_199, %get3A_184 : vector<16xi32>
      %and3A_201 = arith.constant 4194303 : i32
      %and3A_202 = vector.broadcast %and3A_201 : i32 to vector<16xi32>
      %and3A_203 = arith.andi %add3A_200, %and3A_202 : vector<16xi32>
      %swap3A_204 = arith.index_cast %add3A_188 : i32 to index
      %swap3A_205 = tpu.vector_load %arg23[%swap3A_204] {strides = array<i32>} : memref<1568xi32, #tpu.memory_space<vmem>>, vector<16xi32>,
      %swap3A_206 = vector.shape_cast %swap3A_205 : vector<16xi32> to vector<16xi32>
      %swap3A_207 = vector.shape_cast %and3A_203 : vector<16xi32> to vector<16xi32>
      tpu.vector_store %arg23[%swap3A_204], %swap3A_207 {strides = array<i32>} : memref<1568xi32, #tpu.memory_space<vmem>>, vector<16xi32>,
      %add3A_208 = arith.constant 32 : i32
      %add3A_209 = arith.addi %add3A_208, %scan3A_139 : i32
      %get3A_210 = arith.index_cast %add3A_209 : i32 to index
      %get3A_211 = arith.constant 32 : index
      %get3A_212 = tpu.vector_load %arg8[%get3A_210, %get3A_211] {strides = array<i32>} : memref<128x50xi32, #tpu.memory_space<vmem>>, vector<1x16xi32>,
      %get3A_213 = vector.shape_cast %get3A_212 : vector<1x16xi32> to vector<16xi32>
      %add3A_214 = arith.constant 32 : i32
      %add3A_215 = arith.addi %add3A_214, %scan3A_139 : i32
      %get3A_216 = arith.index_cast %add3A_215 : i32 to index
      %get3A_217 = arith.constant 33 : index
      %get3A_218 = tpu.vector_load %arg8[%get3A_216, %get3A_217] {strides = array<i32>} : memref<128x50xi32, #tpu.memory_space<vmem>>, vector<1x16xi32>,
      %get3A_219 = vector.shape_cast %get3A_218 : vector<1x16xi32> to vector<16xi32>
      %mul3A_220 = arith.constant 49 : i32
      %mul3A_221 = arith.muli %scan3A_139, %mul3A_220 : i32
      %add3A_222 = arith.constant 32 : i32
      %add3A_223 = arith.addi %mul3A_221, %add3A_222 : i32
      %swap3A_224 = arith.index_cast %add3A_223 : i32 to index
      %swap3A_225 = tpu.vector_load %arg21[%swap3A_224] {strides = array<i32>} : memref<1568xi32, #tpu.memory_space<vmem>>, vector<16xi32>,
      %swap3A_226 = vector.shape_cast %swap3A_225 : vector<16xi32> to vector<16xi32>
      %swap3A_227 = vector.shape_cast %get3A_213 : vector<16xi32> to vector<16xi32>
      tpu.vector_store %arg21[%swap3A_224], %swap3A_227 {strides = array<i32>} : memref<1568xi32, #tpu.memory_space<vmem>>, vector<16xi32>,
      %swap3A_228 = arith.index_cast %add3A_223 : i32 to index
      %swap3A_229 = tpu.vector_load %arg22[%swap3A_228] {strides = array<i32>} : memref<1568xi32, #tpu.memory_space<vmem>>, vector<16xi32>,
      %swap3A_230 = vector.shape_cast %swap3A_229 : vector<16xi32> to vector<16xi32>
      %swap3A_231 = vector.shape_cast %get3A_219 : vector<16xi32> to vector<16xi32>
      tpu.vector_store %arg22[%swap3A_228], %swap3A_231 {strides = array<i32>} : memref<1568xi32, #tpu.memory_space<vmem>>, vector<16xi32>,
      %mul3A_232 = arith.constant 1000003 : i32
      %mul3A_233 = vector.broadcast %mul3A_232 : i32 to vector<16xi32>
      %mul3A_234 = arith.muli %get3A_213, %mul3A_233 : vector<16xi32>
      %add3A_235 = arith.addi %mul3A_234, %get3A_219 : vector<16xi32>
      %and3A_236 = arith.constant 4194303 : i32
      %and3A_237 = vector.broadcast %and3A_236 : i32 to vector<16xi32>
      %and3A_238 = arith.andi %add3A_235, %and3A_237 : vector<16xi32>
      %swap3A_239 = arith.index_cast %add3A_223 : i32 to index
      %swap3A_240 = tpu.vector_load %arg23[%swap3A_239] {strides = array<i32>} : memref<1568xi32, #tpu.memory_space<vmem>>, vector<16xi32>,
      %swap3A_241 = vector.shape_cast %swap3A_240 : vector<16xi32> to vector<16xi32>
      %swap3A_242 = vector.shape_cast %and3A_238 : vector<16xi32> to vector<16xi32>
      tpu.vector_store %arg23[%swap3A_239], %swap3A_242 {strides = array<i32>} : memref<1568xi32, #tpu.memory_space<vmem>>, vector<16xi32>,
      %add3A_243 = arith.constant 32 : i32
      %add3A_244 = arith.addi %add3A_243, %scan3A_139 : i32
      %get3A_245 = arith.index_cast %add3A_244 : i32 to index
      %get3A_246 = arith.constant 33 : index
      %get3A_247 = tpu.vector_load %arg8[%get3A_245, %get3A_246] {strides = array<i32>} : memref<128x50xi32, #tpu.memory_space<vmem>>, vector<1x16xi32>,
      %get3A_248 = vector.shape_cast %get3A_247 : vector<1x16xi32> to vector<16xi32>
      %add3A_249 = arith.constant 32 : i32
      %add3A_250 = arith.addi %add3A_249, %scan3A_139 : i32
      %get3A_251 = arith.index_cast %add3A_250 : i32 to index
      %get3A_252 = arith.constant 34 : index
      %get3A_253 = tpu.vector_load %arg8[%get3A_251, %get3A_252] {strides = array<i32>} : memref<128x50xi32, #tpu.memory_space<vmem>>, vector<1x16xi32>,
      %get3A_254 = vector.shape_cast %get3A_253 : vector<1x16xi32> to vector<16xi32>
      %mul3A_255 = arith.constant 49 : i32
      %mul3A_256 = arith.muli %scan3A_139, %mul3A_255 : i32
      %add3A_257 = arith.constant 33 : i32
      %add3A_258 = arith.addi %mul3A_256, %add3A_257 : i32
      %swap3A_259 = arith.index_cast %add3A_258 : i32 to index
      %swap3A_260 = tpu.vector_load %arg21[%swap3A_259] {strides = array<i32>} : memref<1568xi32, #tpu.memory_space<vmem>>, vector<16xi32>,
      %swap3A_261 = vector.shape_cast %swap3A_260 : vector<16xi32> to vector<16xi32>
      %swap3A_262 = vector.shape_cast %get3A_248 : vector<16xi32> to vector<16xi32>
      tpu.vector_store %arg21[%swap3A_259], %swap3A_262 {strides = array<i32>} : memref<1568xi32, #tpu.memory_space<vmem>>, vector<16xi32>,
      %swap3A_263 = arith.index_cast %add3A_258 : i32 to index
      %swap3A_264 = tpu.vector_load %arg22[%swap3A_263] {strides = array<i32>} : memref<1568xi32, #tpu.memory_space<vmem>>, vector<16xi32>,
      %swap3A_265 = vector.shape_cast %swap3A_264 : vector<16xi32> to vector<16xi32>
      %swap3A_266 = vector.shape_cast %get3A_254 : vector<16xi32> to vector<16xi32>
      tpu.vector_store %arg22[%swap3A_263], %swap3A_266 {strides = array<i32>} : memref<1568xi32, #tpu.memory_space<vmem>>, vector<16xi32>,
      %mul3A_267 = arith.constant 1000003 : i32
      %mul3A_268 = vector.broadcast %mul3A_267 : i32 to vector<16xi32>
      %mul3A_269 = arith.muli %get3A_248, %mul3A_268 : vector<16xi32>
      %add3A_270 = arith.addi %mul3A_269, %get3A_254 : vector<16xi32>
      %and3A_271 = arith.constant 4194303 : i32
      %and3A_272 = vector.broadcast %and3A_271 : i32 to vector<16xi32>
      %and3A_273 = arith.andi %add3A_270, %and3A_272 : vector<16xi32>
      %swap3A_274 = arith.index_cast %add3A_258 : i32 to index
      %swap3A_275 = tpu.vector_load %arg23[%swap3A_274] {strides = array<i32>} : memref<1568xi32, #tpu.memory_space<vmem>>, vector<16xi32>,
      %swap3A_276 = vector.shape_cast %swap3A_275 : vector<16xi32> to vector<16xi32>
      %swap3A_277 = vector.shape_cast %and3A_273 : vector<16xi32> to vector<16xi32>
      tpu.vector_store %arg23[%swap3A_274], %swap3A_277 {strides = array<i32>} : memref<1568xi32, #tpu.memory_space<vmem>>, vector<16xi32>,
      %scan3A_278 = arith.constant 0 : i32
      scf.yield %scan3A_278 : i32
    }
    %scan3A_40 = arith.constant 32 : i32
    "tpu.trace_stop"() : () -> ()
    %dma_start3A_41 = arith.constant 0 : i32
    %dma_start3A_42 = tpu.memref_slice %arg5[%dma_start3A_41] : memref<4194304xf32, #tpu.memory_space<hbm>> -> memref<4194304xf32, #tpu.memory_space<hbm>>
    tpu.enqueue_indirect_dma source(%dma_start3A_42 : memref<4194304xf32, #tpu.memory_space<hbm>>) target(%arg26 : memref<1568xf32, #tpu.memory_space<vmem>>) offsets(%arg23 : memref<1568xi32, #tpu.memory_space<vmem>>) semaphore(%arg51 : memref<!tpu.dma_semaphore, #tpu.memory_space<semaphore_mem>>)
    %dma_start3A_43 = arith.constant 0 : i32
    %dma_start3A_44 = tpu.memref_slice %arg6[%dma_start3A_43] : memref<4194304xf32, #tpu.memory_space<hbm>> -> memref<4194304xf32, #tpu.memory_space<hbm>>
    tpu.enqueue_indirect_dma source(%dma_start3A_44 : memref<4194304xf32, #tpu.memory_space<hbm>>) target(%arg27 : memref<1568xf32, #tpu.memory_space<vmem>>) offsets(%arg23 : memref<1568xi32, #tpu.memory_space<vmem>>) semaphore(%arg52 : memref<!tpu.dma_semaphore, #tpu.memory_space<semaphore_mem>>)
    %dma_start3A_45 = arith.constant 0 : i32
    %dma_start3A_46 = tpu.memref_slice %arg12[%dma_start3A_45] : memref<100000xf32, #tpu.memory_space<vmem_shared>> -> memref<100000xf32, #tpu.memory_space<vmem_shared>>
    tpu.enqueue_indirect_dma source(%dma_start3A_46 : memref<100000xf32, #tpu.memory_space<vmem_shared>>) target(%arg24 : memref<1568xf32, #tpu.memory_space<vmem>>) offsets(%arg22 : memref<1568xi32, #tpu.memory_space<vmem>>) semaphore(%arg49 : memref<!tpu.dma_semaphore, #tpu.memory_space<semaphore_mem>>)
    %dma_start3A_47 = arith.constant 0 : i32
    %dma_start3A_48 = tpu.memref_slice %arg13[%dma_start3A_47] : memref<100000xf32, #tpu.memory_space<vmem_shared>> -> memref<100000xf32, #tpu.memory_space<vmem_shared>>
    tpu.enqueue_indirect_dma source(%dma_start3A_48 : memref<100000xf32, #tpu.memory_space<vmem_shared>>) target(%arg25 : memref<1568xf32, #tpu.memory_space<vmem>>) offsets(%arg21 : memref<1568xi32, #tpu.memory_space<vmem>>) semaphore(%arg50 : memref<!tpu.dma_semaphore, #tpu.memory_space<semaphore_mem>>)
    "tpu.trace_start"() <{level = 10 : i32, message = "unpack"}> : () -> ()
    %scan3A_49 = arith.constant 0 : i32
    %scan3A_50 = arith.constant 0 : i32
    %scan3A_51 = arith.constant 32 : i32
    %scan3A_52 = arith.addi %scan3A_50, %scan3A_51 : i32
    %scan3A_53 = arith.constant 1 : i32
    %scan3A_54 = scf.for %scan3A_139 = %scan3A_50 to %scan3A_52 step %scan3A_53 iter_args(%scan3A_140 = %scan3A_49) -> (i32)  : i32 {
      %add3A_141 = arith.constant 64 : i32
      %add3A_142 = arith.addi %add3A_141, %scan3A_139 : i32
      %get3A = arith.index_cast %add3A_142 : i32 to index
      %get3A_143 = arith.constant 0 : index
      %get3A_144 = tpu.vector_load %arg8[%get3A, %get3A_143] {strides = array<i32>} : memref<128x50xi32, #tpu.memory_space<vmem>>, vector<1x16xi32>,
      %get3A_145 = vector.shape_cast %get3A_144 : vector<1x16xi32> to vector<16xi32>
      %add3A_146 = arith.constant 64 : i32
      %add3A_147 = arith.addi %add3A_146, %scan3A_139 : i32
      %get3A_148 = arith.index_cast %add3A_147 : i32 to index
      %get3A_149 = arith.constant 1 : index
      %get3A_150 = tpu.vector_load %arg8[%get3A_148, %get3A_149] {strides = array<i32>} : memref<128x50xi32, #tpu.memory_space<vmem>>, vector<1x16xi32>,
      %get3A_151 = vector.shape_cast %get3A_150 : vector<1x16xi32> to vector<16xi32>
      %mul3A_152 = arith.constant 49 : i32
      %mul3A_153 = arith.muli %scan3A_139, %mul3A_152 : i32
      %add3A_154 = arith.constant 0 : i32
      %add3A_155 = arith.addi %mul3A_153, %add3A_154 : i32
      %swap3A = arith.index_cast %add3A_155 : i32 to index
      %swap3A_156 = tpu.vector_load %arg28[%swap3A] {strides = array<i32>} : memref<1568xi32, #tpu.memory_space<vmem>>, vector<16xi32>,
      %swap3A_157 = vector.shape_cast %swap3A_156 : vector<16xi32> to vector<16xi32>
      %swap3A_158 = vector.shape_cast %get3A_145 : vector<16xi32> to vector<16xi32>
      tpu.vector_store %arg28[%swap3A], %swap3A_158 {strides = array<i32>} : memref<1568xi32, #tpu.memory_space<vmem>>, vector<16xi32>,
      %swap3A_159 = arith.index_cast %add3A_155 : i32 to index
      %swap3A_160 = tpu.vector_load %arg29[%swap3A_159] {strides = array<i32>} : memref<1568xi32, #tpu.memory_space<vmem>>, vector<16xi32>,
      %swap3A_161 = vector.shape_cast %swap3A_160 : vector<16xi32> to vector<16xi32>
      %swap3A_162 = vector.shape_cast %get3A_151 : vector<16xi32> to vector<16xi32>
      tpu.vector_store %arg29[%swap3A_159], %swap3A_162 {strides = array<i32>} : memref<1568xi32, #tpu.memory_space<vmem>>, vector<16xi32>,
      %mul3A_163 = arith.constant 1000003 : i32
      %mul3A_164 = vector.broadcast %mul3A_163 : i32 to vector<16xi32>
      %mul3A_165 = arith.muli %get3A_145, %mul3A_164 : vector<16xi32>
      %add3A_166 = arith.addi %mul3A_165, %get3A_151 : vector<16xi32>
      %and3A = arith.constant 4194303 : i32
      %and3A_167 = vector.broadcast %and3A : i32 to vector<16xi32>
      %and3A_168 = arith.andi %add3A_166, %and3A_167 : vector<16xi32>
      %swap3A_169 = arith.index_cast %add3A_155 : i32 to index
      %swap3A_170 = tpu.vector_load %arg30[%swap3A_169] {strides = array<i32>} : memref<1568xi32, #tpu.memory_space<vmem>>, vector<16xi32>,
      %swap3A_171 = vector.shape_cast %swap3A_170 : vector<16xi32> to vector<16xi32>
      %swap3A_172 = vector.shape_cast %and3A_168 : vector<16xi32> to vector<16xi32>
      tpu.vector_store %arg30[%swap3A_169], %swap3A_172 {strides = array<i32>} : memref<1568xi32, #tpu.memory_space<vmem>>, vector<16xi32>,
      %add3A_173 = arith.constant 64 : i32
      %add3A_174 = arith.addi %add3A_173, %scan3A_139 : i32
      %get3A_175 = arith.index_cast %add3A_174 : i32 to index
      %get3A_176 = arith.constant 16 : index
      %get3A_177 = tpu.vector_load %arg8[%get3A_175, %get3A_176] {strides = array<i32>} : memref<128x50xi32, #tpu.memory_space<vmem>>, vector<1x16xi32>,
      %get3A_178 = vector.shape_cast %get3A_177 : vector<1x16xi32> to vector<16xi32>
      %add3A_179 = arith.constant 64 : i32
      %add3A_180 = arith.addi %add3A_179, %scan3A_139 : i32
      %get3A_181 = arith.index_cast %add3A_180 : i32 to index
      %get3A_182 = arith.constant 17 : index
      %get3A_183 = tpu.vector_load %arg8[%get3A_181, %get3A_182] {strides = array<i32>} : memref<128x50xi32, #tpu.memory_space<vmem>>, vector<1x16xi32>,
      %get3A_184 = vector.shape_cast %get3A_183 : vector<1x16xi32> to vector<16xi32>
      %mul3A_185 = arith.constant 49 : i32
      %mul3A_186 = arith.muli %scan3A_139, %mul3A_185 : i32
      %add3A_187 = arith.constant 16 : i32
      %add3A_188 = arith.addi %mul3A_186, %add3A_187 : i32
      %swap3A_189 = arith.index_cast %add3A_188 : i32 to index
      %swap3A_190 = tpu.vector_load %arg28[%swap3A_189] {strides = array<i32>} : memref<1568xi32, #tpu.memory_space<vmem>>, vector<16xi32>,
      %swap3A_191 = vector.shape_cast %swap3A_190 : vector<16xi32> to vector<16xi32>
      %swap3A_192 = vector.shape_cast %get3A_178 : vector<16xi32> to vector<16xi32>
      tpu.vector_store %arg28[%swap3A_189], %swap3A_192 {strides = array<i32>} : memref<1568xi32, #tpu.memory_space<vmem>>, vector<16xi32>,
      %swap3A_193 = arith.index_cast %add3A_188 : i32 to index
      %swap3A_194 = tpu.vector_load %arg29[%swap3A_193] {strides = array<i32>} : memref<1568xi32, #tpu.memory_space<vmem>>, vector<16xi32>,
      %swap3A_195 = vector.shape_cast %swap3A_194 : vector<16xi32> to vector<16xi32>
      %swap3A_196 = vector.shape_cast %get3A_184 : vector<16xi32> to vector<16xi32>
      tpu.vector_store %arg29[%swap3A_193], %swap3A_196 {strides = array<i32>} : memref<1568xi32, #tpu.memory_space<vmem>>, vector<16xi32>,
      %mul3A_197 = arith.constant 1000003 : i32
      %mul3A_198 = vector.broadcast %mul3A_197 : i32 to vector<16xi32>
      %mul3A_199 = arith.muli %get3A_178, %mul3A_198 : vector<16xi32>
      %add3A_200 = arith.addi %mul3A_199, %get3A_184 : vector<16xi32>
      %and3A_201 = arith.constant 4194303 : i32
      %and3A_202 = vector.broadcast %and3A_201 : i32 to vector<16xi32>
      %and3A_203 = arith.andi %add3A_200, %and3A_202 : vector<16xi32>
      %swap3A_204 = arith.index_cast %add3A_188 : i32 to index
      %swap3A_205 = tpu.vector_load %arg30[%swap3A_204] {strides = array<i32>} : memref<1568xi32, #tpu.memory_space<vmem>>, vector<16xi32>,
      %swap3A_206 = vector.shape_cast %swap3A_205 : vector<16xi32> to vector<16xi32>
      %swap3A_207 = vector.shape_cast %and3A_203 : vector<16xi32> to vector<16xi32>
      tpu.vector_store %arg30[%swap3A_204], %swap3A_207 {strides = array<i32>} : memref<1568xi32, #tpu.memory_space<vmem>>, vector<16xi32>,
      %add3A_208 = arith.constant 64 : i32
      %add3A_209 = arith.addi %add3A_208, %scan3A_139 : i32
      %get3A_210 = arith.index_cast %add3A_209 : i32 to index
      %get3A_211 = arith.constant 32 : index
      %get3A_212 = tpu.vector_load %arg8[%get3A_210, %get3A_211] {strides = array<i32>} : memref<128x50xi32, #tpu.memory_space<vmem>>, vector<1x16xi32>,
      %get3A_213 = vector.shape_cast %get3A_212 : vector<1x16xi32> to vector<16xi32>
      %add3A_214 = arith.constant 64 : i32
      %add3A_215 = arith.addi %add3A_214, %scan3A_139 : i32
      %get3A_216 = arith.index_cast %add3A_215 : i32 to index
      %get3A_217 = arith.constant 33 : index
      %get3A_218 = tpu.vector_load %arg8[%get3A_216, %get3A_217] {strides = array<i32>} : memref<128x50xi32, #tpu.memory_space<vmem>>, vector<1x16xi32>,
      %get3A_219 = vector.shape_cast %get3A_218 : vector<1x16xi32> to vector<16xi32>
      %mul3A_220 = arith.constant 49 : i32
      %mul3A_221 = arith.muli %scan3A_139, %mul3A_220 : i32
      %add3A_222 = arith.constant 32 : i32
      %add3A_223 = arith.addi %mul3A_221, %add3A_222 : i32
      %swap3A_224 = arith.index_cast %add3A_223 : i32 to index
      %swap3A_225 = tpu.vector_load %arg28[%swap3A_224] {strides = array<i32>} : memref<1568xi32, #tpu.memory_space<vmem>>, vector<16xi32>,
      %swap3A_226 = vector.shape_cast %swap3A_225 : vector<16xi32> to vector<16xi32>
      %swap3A_227 = vector.shape_cast %get3A_213 : vector<16xi32> to vector<16xi32>
      tpu.vector_store %arg28[%swap3A_224], %swap3A_227 {strides = array<i32>} : memref<1568xi32, #tpu.memory_space<vmem>>, vector<16xi32>,
      %swap3A_228 = arith.index_cast %add3A_223 : i32 to index
      %swap3A_229 = tpu.vector_load %arg29[%swap3A_228] {strides = array<i32>} : memref<1568xi32, #tpu.memory_space<vmem>>, vector<16xi32>,
      %swap3A_230 = vector.shape_cast %swap3A_229 : vector<16xi32> to vector<16xi32>
      %swap3A_231 = vector.shape_cast %get3A_219 : vector<16xi32> to vector<16xi32>
      tpu.vector_store %arg29[%swap3A_228], %swap3A_231 {strides = array<i32>} : memref<1568xi32, #tpu.memory_space<vmem>>, vector<16xi32>,
      %mul3A_232 = arith.constant 1000003 : i32
      %mul3A_233 = vector.broadcast %mul3A_232 : i32 to vector<16xi32>
      %mul3A_234 = arith.muli %get3A_213, %mul3A_233 : vector<16xi32>
      %add3A_235 = arith.addi %mul3A_234, %get3A_219 : vector<16xi32>
      %and3A_236 = arith.constant 4194303 : i32
      %and3A_237 = vector.broadcast %and3A_236 : i32 to vector<16xi32>
      %and3A_238 = arith.andi %add3A_235, %and3A_237 : vector<16xi32>
      %swap3A_239 = arith.index_cast %add3A_223 : i32 to index
      %swap3A_240 = tpu.vector_load %arg30[%swap3A_239] {strides = array<i32>} : memref<1568xi32, #tpu.memory_space<vmem>>, vector<16xi32>,
      %swap3A_241 = vector.shape_cast %swap3A_240 : vector<16xi32> to vector<16xi32>
      %swap3A_242 = vector.shape_cast %and3A_238 : vector<16xi32> to vector<16xi32>
      tpu.vector_store %arg30[%swap3A_239], %swap3A_242 {strides = array<i32>} : memref<1568xi32, #tpu.memory_space<vmem>>, vector<16xi32>,
      %add3A_243 = arith.constant 64 : i32
      %add3A_244 = arith.addi %add3A_243, %scan3A_139 : i32
      %get3A_245 = arith.index_cast %add3A_244 : i32 to index
      %get3A_246 = arith.constant 33 : index
      %get3A_247 = tpu.vector_load %arg8[%get3A_245, %get3A_246] {strides = array<i32>} : memref<128x50xi32, #tpu.memory_space<vmem>>, vector<1x16xi32>,
      %get3A_248 = vector.shape_cast %get3A_247 : vector<1x16xi32> to vector<16xi32>
      %add3A_249 = arith.constant 64 : i32
      %add3A_250 = arith.addi %add3A_249, %scan3A_139 : i32
      %get3A_251 = arith.index_cast %add3A_250 : i32 to index
      %get3A_252 = arith.constant 34 : index
      %get3A_253 = tpu.vector_load %arg8[%get3A_251, %get3A_252] {strides = array<i32>} : memref<128x50xi32, #tpu.memory_space<vmem>>, vector<1x16xi32>,
      %get3A_254 = vector.shape_cast %get3A_253 : vector<1x16xi32> to vector<16xi32>
      %mul3A_255 = arith.constant 49 : i32
      %mul3A_256 = arith.muli %scan3A_139, %mul3A_255 : i32
      %add3A_257 = arith.constant 33 : i32
      %add3A_258 = arith.addi %mul3A_256, %add3A_257 : i32
      %swap3A_259 = arith.index_cast %add3A_258 : i32 to index
      %swap3A_260 = tpu.vector_load %arg28[%swap3A_259] {strides = array<i32>} : memref<1568xi32, #tpu.memory_space<vmem>>, vector<16xi32>,
      %swap3A_261 = vector.shape_cast %swap3A_260 : vector<16xi32> to vector<16xi32>
      %swap3A_262 = vector.shape_cast %get3A_248 : vector<16xi32> to vector<16xi32>
      tpu.vector_store %arg28[%swap3A_259], %swap3A_262 {strides = array<i32>} : memref<1568xi32, #tpu.memory_space<vmem>>, vector<16xi32>,
      %swap3A_263 = arith.index_cast %add3A_258 : i32 to index
      %swap3A_264 = tpu.vector_load %arg29[%swap3A_263] {strides = array<i32>} : memref<1568xi32, #tpu.memory_space<vmem>>, vector<16xi32>,
      %swap3A_265 = vector.shape_cast %swap3A_264 : vector<16xi32> to vector<16xi32>
      %swap3A_266 = vector.shape_cast %get3A_254 : vector<16xi32> to vector<16xi32>
      tpu.vector_store %arg29[%swap3A_263], %swap3A_266 {strides = array<i32>} : memref<1568xi32, #tpu.memory_space<vmem>>, vector<16xi32>,
      %mul3A_267 = arith.constant 1000003 : i32
      %mul3A_268 = vector.broadcast %mul3A_267 : i32 to vector<16xi32>
      %mul3A_269 = arith.muli %get3A_248, %mul3A_268 : vector<16xi32>
      %add3A_270 = arith.addi %mul3A_269, %get3A_254 : vector<16xi32>
      %and3A_271 = arith.constant 4194303 : i32
      %and3A_272 = vector.broadcast %and3A_271 : i32 to vector<16xi32>
      %and3A_273 = arith.andi %add3A_270, %and3A_272 : vector<16xi32>
      %swap3A_274 = arith.index_cast %add3A_258 : i32 to index
      %swap3A_275 = tpu.vector_load %arg30[%swap3A_274] {strides = array<i32>} : memref<1568xi32, #tpu.memory_space<vmem>>, vector<16xi32>,
      %swap3A_276 = vector.shape_cast %swap3A_275 : vector<16xi32> to vector<16xi32>
      %swap3A_277 = vector.shape_cast %and3A_273 : vector<16xi32> to vector<16xi32>
      tpu.vector_store %arg30[%swap3A_274], %swap3A_277 {strides = array<i32>} : memref<1568xi32, #tpu.memory_space<vmem>>, vector<16xi32>,
      %scan3A_278 = arith.constant 0 : i32
      scf.yield %scan3A_278 : i32
    }
    %scan3A_55 = arith.constant 32 : i32
    "tpu.trace_stop"() : () -> ()
    %dma_start3A_56 = arith.constant 0 : i32
    %dma_start3A_57 = tpu.memref_slice %arg5[%dma_start3A_56] : memref<4194304xf32, #tpu.memory_space<hbm>> -> memref<4194304xf32, #tpu.memory_space<hbm>>
    tpu.enqueue_indirect_dma source(%dma_start3A_57 : memref<4194304xf32, #tpu.memory_space<hbm>>) target(%arg33 : memref<1568xf32, #tpu.memory_space<vmem>>) offsets(%arg30 : memref<1568xi32, #tpu.memory_space<vmem>>) semaphore(%arg55 : memref<!tpu.dma_semaphore, #tpu.memory_space<semaphore_mem>>)
    %dma_start3A_58 = arith.constant 0 : i32
    %dma_start3A_59 = tpu.memref_slice %arg6[%dma_start3A_58] : memref<4194304xf32, #tpu.memory_space<hbm>> -> memref<4194304xf32, #tpu.memory_space<hbm>>
    tpu.enqueue_indirect_dma source(%dma_start3A_59 : memref<4194304xf32, #tpu.memory_space<hbm>>) target(%arg34 : memref<1568xf32, #tpu.memory_space<vmem>>) offsets(%arg30 : memref<1568xi32, #tpu.memory_space<vmem>>) semaphore(%arg56 : memref<!tpu.dma_semaphore, #tpu.memory_space<semaphore_mem>>)
    %dma_start3A_60 = arith.constant 0 : i32
    %dma_start3A_61 = tpu.memref_slice %arg12[%dma_start3A_60] : memref<100000xf32, #tpu.memory_space<vmem_shared>> -> memref<100000xf32, #tpu.memory_space<vmem_shared>>
    tpu.enqueue_indirect_dma source(%dma_start3A_61 : memref<100000xf32, #tpu.memory_space<vmem_shared>>) target(%arg31 : memref<1568xf32, #tpu.memory_space<vmem>>) offsets(%arg29 : memref<1568xi32, #tpu.memory_space<vmem>>) semaphore(%arg53 : memref<!tpu.dma_semaphore, #tpu.memory_space<semaphore_mem>>)
    %dma_start3A_62 = arith.constant 0 : i32
    %dma_start3A_63 = tpu.memref_slice %arg13[%dma_start3A_62] : memref<100000xf32, #tpu.memory_space<vmem_shared>> -> memref<100000xf32, #tpu.memory_space<vmem_shared>>
    tpu.enqueue_indirect_dma source(%dma_start3A_63 : memref<100000xf32, #tpu.memory_space<vmem_shared>>) target(%arg32 : memref<1568xf32, #tpu.memory_space<vmem>>) offsets(%arg28 : memref<1568xi32, #tpu.memory_space<vmem>>) semaphore(%arg54 : memref<!tpu.dma_semaphore, #tpu.memory_space<semaphore_mem>>)
    "tpu.trace_start"() <{level = 10 : i32, message = "unpack"}> : () -> ()
    %scan3A_64 = arith.constant 0 : i32
    %scan3A_65 = arith.constant 0 : i32
    %scan3A_66 = arith.constant 32 : i32
    %scan3A_67 = arith.addi %scan3A_65, %scan3A_66 : i32
    %scan3A_68 = arith.constant 1 : i32
    %scan3A_69 = scf.for %scan3A_139 = %scan3A_65 to %scan3A_67 step %scan3A_68 iter_args(%scan3A_140 = %scan3A_64) -> (i32)  : i32 {
      %add3A_141 = arith.constant 96 : i32
      %add3A_142 = arith.addi %add3A_141, %scan3A_139 : i32
      %get3A = arith.index_cast %add3A_142 : i32 to index
      %get3A_143 = arith.constant 0 : index
      %get3A_144 = tpu.vector_load %arg8[%get3A, %get3A_143] {strides = array<i32>} : memref<128x50xi32, #tpu.memory_space<vmem>>, vector<1x16xi32>,
      %get3A_145 = vector.shape_cast %get3A_144 : vector<1x16xi32> to vector<16xi32>
      %add3A_146 = arith.constant 96 : i32
      %add3A_147 = arith.addi %add3A_146, %scan3A_139 : i32
      %get3A_148 = arith.index_cast %add3A_147 : i32 to index
      %get3A_149 = arith.constant 1 : index
      %get3A_150 = tpu.vector_load %arg8[%get3A_148, %get3A_149] {strides = array<i32>} : memref<128x50xi32, #tpu.memory_space<vmem>>, vector<1x16xi32>,
      %get3A_151 = vector.shape_cast %get3A_150 : vector<1x16xi32> to vector<16xi32>
      %mul3A_152 = arith.constant 49 : i32
      %mul3A_153 = arith.muli %scan3A_139, %mul3A_152 : i32
      %add3A_154 = arith.constant 0 : i32
      %add3A_155 = arith.addi %mul3A_153, %add3A_154 : i32
      %swap3A = arith.index_cast %add3A_155 : i32 to index
      %swap3A_156 = tpu.vector_load %arg35[%swap3A] {strides = array<i32>} : memref<1568xi32, #tpu.memory_space<vmem>>, vector<16xi32>,
      %swap3A_157 = vector.shape_cast %swap3A_156 : vector<16xi32> to vector<16xi32>
      %swap3A_158 = vector.shape_cast %get3A_145 : vector<16xi32> to vector<16xi32>
      tpu.vector_store %arg35[%swap3A], %swap3A_158 {strides = array<i32>} : memref<1568xi32, #tpu.memory_space<vmem>>, vector<16xi32>,
      %swap3A_159 = arith.index_cast %add3A_155 : i32 to index
      %swap3A_160 = tpu.vector_load %arg36[%swap3A_159] {strides = array<i32>} : memref<1568xi32, #tpu.memory_space<vmem>>, vector<16xi32>,
      %swap3A_161 = vector.shape_cast %swap3A_160 : vector<16xi32> to vector<16xi32>
      %swap3A_162 = vector.shape_cast %get3A_151 : vector<16xi32> to vector<16xi32>
      tpu.vector_store %arg36[%swap3A_159], %swap3A_162 {strides = array<i32>} : memref<1568xi32, #tpu.memory_space<vmem>>, vector<16xi32>,
      %mul3A_163 = arith.constant 1000003 : i32
      %mul3A_164 = vector.broadcast %mul3A_163 : i32 to vector<16xi32>
      %mul3A_165 = arith.muli %get3A_145, %mul3A_164 : vector<16xi32>
      %add3A_166 = arith.addi %mul3A_165, %get3A_151 : vector<16xi32>
      %and3A = arith.constant 4194303 : i32
      %and3A_167 = vector.broadcast %and3A : i32 to vector<16xi32>
      %and3A_168 = arith.andi %add3A_166, %and3A_167 : vector<16xi32>
      %swap3A_169 = arith.index_cast %add3A_155 : i32 to index
      %swap3A_170 = tpu.vector_load %arg37[%swap3A_169] {strides = array<i32>} : memref<1568xi32, #tpu.memory_space<vmem>>, vector<16xi32>,
      %swap3A_171 = vector.shape_cast %swap3A_170 : vector<16xi32> to vector<16xi32>
      %swap3A_172 = vector.shape_cast %and3A_168 : vector<16xi32> to vector<16xi32>
      tpu.vector_store %arg37[%swap3A_169], %swap3A_172 {strides = array<i32>} : memref<1568xi32, #tpu.memory_space<vmem>>, vector<16xi32>,
      %add3A_173 = arith.constant 96 : i32
      %add3A_174 = arith.addi %add3A_173, %scan3A_139 : i32
      %get3A_175 = arith.index_cast %add3A_174 : i32 to index
      %get3A_176 = arith.constant 16 : index
      %get3A_177 = tpu.vector_load %arg8[%get3A_175, %get3A_176] {strides = array<i32>} : memref<128x50xi32, #tpu.memory_space<vmem>>, vector<1x16xi32>,
      %get3A_178 = vector.shape_cast %get3A_177 : vector<1x16xi32> to vector<16xi32>
      %add3A_179 = arith.constant 96 : i32
      %add3A_180 = arith.addi %add3A_179, %scan3A_139 : i32
      %get3A_181 = arith.index_cast %add3A_180 : i32 to index
      %get3A_182 = arith.constant 17 : index
      %get3A_183 = tpu.vector_load %arg8[%get3A_181, %get3A_182] {strides = array<i32>} : memref<128x50xi32, #tpu.memory_space<vmem>>, vector<1x16xi32>,
      %get3A_184 = vector.shape_cast %get3A_183 : vector<1x16xi32> to vector<16xi32>
      %mul3A_185 = arith.constant 49 : i32
      %mul3A_186 = arith.muli %scan3A_139, %mul3A_185 : i32
      %add3A_187 = arith.constant 16 : i32
      %add3A_188 = arith.addi %mul3A_186, %add3A_187 : i32
      %swap3A_189 = arith.index_cast %add3A_188 : i32 to index
      %swap3A_190 = tpu.vector_load %arg35[%swap3A_189] {strides = array<i32>} : memref<1568xi32, #tpu.memory_space<vmem>>, vector<16xi32>,
      %swap3A_191 = vector.shape_cast %swap3A_190 : vector<16xi32> to vector<16xi32>
      %swap3A_192 = vector.shape_cast %get3A_178 : vector<16xi32> to vector<16xi32>
      tpu.vector_store %arg35[%swap3A_189], %swap3A_192 {strides = array<i32>} : memref<1568xi32, #tpu.memory_space<vmem>>, vector<16xi32>,
      %swap3A_193 = arith.index_cast %add3A_188 : i32 to index
      %swap3A_194 = tpu.vector_load %arg36[%swap3A_193] {strides = array<i32>} : memref<1568xi32, #tpu.memory_space<vmem>>, vector<16xi32>,
      %swap3A_195 = vector.shape_cast %swap3A_194 : vector<16xi32> to vector<16xi32>
      %swap3A_196 = vector.shape_cast %get3A_184 : vector<16xi32> to vector<16xi32>
      tpu.vector_store %arg36[%swap3A_193], %swap3A_196 {strides = array<i32>} : memref<1568xi32, #tpu.memory_space<vmem>>, vector<16xi32>,
      %mul3A_197 = arith.constant 1000003 : i32
      %mul3A_198 = vector.broadcast %mul3A_197 : i32 to vector<16xi32>
      %mul3A_199 = arith.muli %get3A_178, %mul3A_198 : vector<16xi32>
      %add3A_200 = arith.addi %mul3A_199, %get3A_184 : vector<16xi32>
      %and3A_201 = arith.constant 4194303 : i32
      %and3A_202 = vector.broadcast %and3A_201 : i32 to vector<16xi32>
      %and3A_203 = arith.andi %add3A_200, %and3A_202 : vector<16xi32>
      %swap3A_204 = arith.index_cast %add3A_188 : i32 to index
      %swap3A_205 = tpu.vector_load %arg37[%swap3A_204] {strides = array<i32>} : memref<1568xi32, #tpu.memory_space<vmem>>, vector<16xi32>,
      %swap3A_206 = vector.shape_cast %swap3A_205 : vector<16xi32> to vector<16xi32>
      %swap3A_207 = vector.shape_cast %and3A_203 : vector<16xi32> to vector<16xi32>
      tpu.vector_store %arg37[%swap3A_204], %swap3A_207 {strides = array<i32>} : memref<1568xi32, #tpu.memory_space<vmem>>, vector<16xi32>,
      %add3A_208 = arith.constant 96 : i32
      %add3A_209 = arith.addi %add3A_208, %scan3A_139 : i32
      %get3A_210 = arith.index_cast %add3A_209 : i32 to index
      %get3A_211 = arith.constant 32 : index
      %get3A_212 = tpu.vector_load %arg8[%get3A_210, %get3A_211] {strides = array<i32>} : memref<128x50xi32, #tpu.memory_space<vmem>>, vector<1x16xi32>,
      %get3A_213 = vector.shape_cast %get3A_212 : vector<1x16xi32> to vector<16xi32>
      %add3A_214 = arith.constant 96 : i32
      %add3A_215 = arith.addi %add3A_214, %scan3A_139 : i32
      %get3A_216 = arith.index_cast %add3A_215 : i32 to index
      %get3A_217 = arith.constant 33 : index
      %get3A_218 = tpu.vector_load %arg8[%get3A_216, %get3A_217] {strides = array<i32>} : memref<128x50xi32, #tpu.memory_space<vmem>>, vector<1x16xi32>,
      %get3A_219 = vector.shape_cast %get3A_218 : vector<1x16xi32> to vector<16xi32>
      %mul3A_220 = arith.constant 49 : i32
      %mul3A_221 = arith.muli %scan3A_139, %mul3A_220 : i32
      %add3A_222 = arith.constant 32 : i32
      %add3A_223 = arith.addi %mul3A_221, %add3A_222 : i32
      %swap3A_224 = arith.index_cast %add3A_223 : i32 to index
      %swap3A_225 = tpu.vector_load %arg35[%swap3A_224] {strides = array<i32>} : memref<1568xi32, #tpu.memory_space<vmem>>, vector<16xi32>,
      %swap3A_226 = vector.shape_cast %swap3A_225 : vector<16xi32> to vector<16xi32>
      %swap3A_227 = vector.shape_cast %get3A_213 : vector<16xi32> to vector<16xi32>
      tpu.vector_store %arg35[%swap3A_224], %swap3A_227 {strides = array<i32>} : memref<1568xi32, #tpu.memory_space<vmem>>, vector<16xi32>,
      %swap3A_228 = arith.index_cast %add3A_223 : i32 to index
      %swap3A_229 = tpu.vector_load %arg36[%swap3A_228] {strides = array<i32>} : memref<1568xi32, #tpu.memory_space<vmem>>, vector<16xi32>,
      %swap3A_230 = vector.shape_cast %swap3A_229 : vector<16xi32> to vector<16xi32>
      %swap3A_231 = vector.shape_cast %get3A_219 : vector<16xi32> to vector<16xi32>
      tpu.vector_store %arg36[%swap3A_228], %swap3A_231 {strides = array<i32>} : memref<1568xi32, #tpu.memory_space<vmem>>, vector<16xi32>,
      %mul3A_232 = arith.constant 1000003 : i32
      %mul3A_233 = vector.broadcast %mul3A_232 : i32 to vector<16xi32>
      %mul3A_234 = arith.muli %get3A_213, %mul3A_233 : vector<16xi32>
      %add3A_235 = arith.addi %mul3A_234, %get3A_219 : vector<16xi32>
      %and3A_236 = arith.constant 4194303 : i32
      %and3A_237 = vector.broadcast %and3A_236 : i32 to vector<16xi32>
      %and3A_238 = arith.andi %add3A_235, %and3A_237 : vector<16xi32>
      %swap3A_239 = arith.index_cast %add3A_223 : i32 to index
      %swap3A_240 = tpu.vector_load %arg37[%swap3A_239] {strides = array<i32>} : memref<1568xi32, #tpu.memory_space<vmem>>, vector<16xi32>,
      %swap3A_241 = vector.shape_cast %swap3A_240 : vector<16xi32> to vector<16xi32>
      %swap3A_242 = vector.shape_cast %and3A_238 : vector<16xi32> to vector<16xi32>
      tpu.vector_store %arg37[%swap3A_239], %swap3A_242 {strides = array<i32>} : memref<1568xi32, #tpu.memory_space<vmem>>, vector<16xi32>,
      %add3A_243 = arith.constant 96 : i32
      %add3A_244 = arith.addi %add3A_243, %scan3A_139 : i32
      %get3A_245 = arith.index_cast %add3A_244 : i32 to index
      %get3A_246 = arith.constant 33 : index
      %get3A_247 = tpu.vector_load %arg8[%get3A_245, %get3A_246] {strides = array<i32>} : memref<128x50xi32, #tpu.memory_space<vmem>>, vector<1x16xi32>,
      %get3A_248 = vector.shape_cast %get3A_247 : vector<1x16xi32> to vector<16xi32>
      %add3A_249 = arith.constant 96 : i32
      %add3A_250 = arith.addi %add3A_249, %scan3A_139 : i32
      %get3A_251 = arith.index_cast %add3A_250 : i32 to index
      %get3A_252 = arith.constant 34 : index
      %get3A_253 = tpu.vector_load %arg8[%get3A_251, %get3A_252] {strides = array<i32>} : memref<128x50xi32, #tpu.memory_space<vmem>>, vector<1x16xi32>,
      %get3A_254 = vector.shape_cast %get3A_253 : vector<1x16xi32> to vector<16xi32>
      %mul3A_255 = arith.constant 49 : i32
      %mul3A_256 = arith.muli %scan3A_139, %mul3A_255 : i32
      %add3A_257 = arith.constant 33 : i32
      %add3A_258 = arith.addi %mul3A_256, %add3A_257 : i32
      %swap3A_259 = arith.index_cast %add3A_258 : i32 to index
      %swap3A_260 = tpu.vector_load %arg35[%swap3A_259] {strides = array<i32>} : memref<1568xi32, #tpu.memory_space<vmem>>, vector<16xi32>,
      %swap3A_261 = vector.shape_cast %swap3A_260 : vector<16xi32> to vector<16xi32>
      %swap3A_262 = vector.shape_cast %get3A_248 : vector<16xi32> to vector<16xi32>
      tpu.vector_store %arg35[%swap3A_259], %swap3A_262 {strides = array<i32>} : memref<1568xi32, #tpu.memory_space<vmem>>, vector<16xi32>,
      %swap3A_263 = arith.index_cast %add3A_258 : i32 to index
      %swap3A_264 = tpu.vector_load %arg36[%swap3A_263] {strides = array<i32>} : memref<1568xi32, #tpu.memory_space<vmem>>, vector<16xi32>,
      %swap3A_265 = vector.shape_cast %swap3A_264 : vector<16xi32> to vector<16xi32>
      %swap3A_266 = vector.shape_cast %get3A_254 : vector<16xi32> to vector<16xi32>
      tpu.vector_store %arg36[%swap3A_263], %swap3A_266 {strides = array<i32>} : memref<1568xi32, #tpu.memory_space<vmem>>, vector<16xi32>,
      %mul3A_267 = arith.constant 1000003 : i32
      %mul3A_268 = vector.broadcast %mul3A_267 : i32 to vector<16xi32>
      %mul3A_269 = arith.muli %get3A_248, %mul3A_268 : vector<16xi32>
      %add3A_270 = arith.addi %mul3A_269, %get3A_254 : vector<16xi32>
      %and3A_271 = arith.constant 4194303 : i32
      %and3A_272 = vector.broadcast %and3A_271 : i32 to vector<16xi32>
      %and3A_273 = arith.andi %add3A_270, %and3A_272 : vector<16xi32>
      %swap3A_274 = arith.index_cast %add3A_258 : i32 to index
      %swap3A_275 = tpu.vector_load %arg37[%swap3A_274] {strides = array<i32>} : memref<1568xi32, #tpu.memory_space<vmem>>, vector<16xi32>,
      %swap3A_276 = vector.shape_cast %swap3A_275 : vector<16xi32> to vector<16xi32>
      %swap3A_277 = vector.shape_cast %and3A_273 : vector<16xi32> to vector<16xi32>
      tpu.vector_store %arg37[%swap3A_274], %swap3A_277 {strides = array<i32>} : memref<1568xi32, #tpu.memory_space<vmem>>, vector<16xi32>,
      %scan3A_278 = arith.constant 0 : i32
      scf.yield %scan3A_278 : i32
    }
    %scan3A_70 = arith.constant 32 : i32
    "tpu.trace_stop"() : () -> ()
    %dma_start3A_71 = arith.constant 0 : i32
    %dma_start3A_72 = tpu.memref_slice %arg5[%dma_start3A_71] : memref<4194304xf32, #tpu.memory_space<hbm>> -> memref<4194304xf32, #tpu.memory_space<hbm>>
    tpu.enqueue_indirect_dma source(%dma_start3A_72 : memref<4194304xf32, #tpu.memory_space<hbm>>) target(%arg40 : memref<1568xf32, #tpu.memory_space<vmem>>) offsets(%arg37 : memref<1568xi32, #tpu.memory_space<vmem>>) semaphore(%arg59 : memref<!tpu.dma_semaphore, #tpu.memory_space<semaphore_mem>>)
    %dma_start3A_73 = arith.constant 0 : i32
    %dma_start3A_74 = tpu.memref_slice %arg6[%dma_start3A_73] : memref<4194304xf32, #tpu.memory_space<hbm>> -> memref<4194304xf32, #tpu.memory_space<hbm>>
    tpu.enqueue_indirect_dma source(%dma_start3A_74 : memref<4194304xf32, #tpu.memory_space<hbm>>) target(%arg41 : memref<1568xf32, #tpu.memory_space<vmem>>) offsets(%arg37 : memref<1568xi32, #tpu.memory_space<vmem>>) semaphore(%arg60 : memref<!tpu.dma_semaphore, #tpu.memory_space<semaphore_mem>>)
    %dma_start3A_75 = arith.constant 0 : i32
    %dma_start3A_76 = tpu.memref_slice %arg12[%dma_start3A_75] : memref<100000xf32, #tpu.memory_space<vmem_shared>> -> memref<100000xf32, #tpu.memory_space<vmem_shared>>
    tpu.enqueue_indirect_dma source(%dma_start3A_76 : memref<100000xf32, #tpu.memory_space<vmem_shared>>) target(%arg38 : memref<1568xf32, #tpu.memory_space<vmem>>) offsets(%arg36 : memref<1568xi32, #tpu.memory_space<vmem>>) semaphore(%arg57 : memref<!tpu.dma_semaphore, #tpu.memory_space<semaphore_mem>>)
    %dma_start3A_77 = arith.constant 0 : i32
    %dma_start3A_78 = tpu.memref_slice %arg13[%dma_start3A_77] : memref<100000xf32, #tpu.memory_space<vmem_shared>> -> memref<100000xf32, #tpu.memory_space<vmem_shared>>
    tpu.enqueue_indirect_dma source(%dma_start3A_78 : memref<100000xf32, #tpu.memory_space<vmem_shared>>) target(%arg39 : memref<1568xf32, #tpu.memory_space<vmem>>) offsets(%arg35 : memref<1568xi32, #tpu.memory_space<vmem>>) semaphore(%arg58 : memref<!tpu.dma_semaphore, #tpu.memory_space<semaphore_mem>>)
    "tpu.trace_start"() <{level = 10 : i32, message = "wait_q"}> : () -> ()
    %dma_wait3A_79 = arith.constant 0 : i32
    %dma_wait3A_80 = tpu.memref_slice %arg12[%dma_wait3A_79] : memref<100000xf32, #tpu.memory_space<vmem_shared>> -> memref<100000xf32, #tpu.memory_space<vmem_shared>>
    tpu.wait_indirect_dma semaphore(%arg45 : memref<!tpu.dma_semaphore, #tpu.memory_space<semaphore_mem>>) src(%dma_wait3A_80 : memref<100000xf32, #tpu.memory_space<vmem_shared>>) dst(%arg17 : memref<1568xf32, #tpu.memory_space<vmem>>)
    %dma_wait3A_81 = arith.constant 0 : i32
    %dma_wait3A_82 = tpu.memref_slice %arg13[%dma_wait3A_81] : memref<100000xf32, #tpu.memory_space<vmem_shared>> -> memref<100000xf32, #tpu.memory_space<vmem_shared>>
    tpu.wait_indirect_dma semaphore(%arg46 : memref<!tpu.dma_semaphore, #tpu.memory_space<semaphore_mem>>) src(%dma_wait3A_82 : memref<100000xf32, #tpu.memory_space<vmem_shared>>) dst(%arg18 : memref<1568xf32, #tpu.memory_space<vmem>>)
    %dma_wait3A_83 = arith.constant 0 : i32
    %dma_wait3A_84 = tpu.memref_slice %arg5[%dma_wait3A_83] : memref<4194304xf32, #tpu.memory_space<hbm>> -> memref<4194304xf32, #tpu.memory_space<hbm>>
    tpu.wait_indirect_dma semaphore(%arg47 : memref<!tpu.dma_semaphore, #tpu.memory_space<semaphore_mem>>) src(%dma_wait3A_84 : memref<4194304xf32, #tpu.memory_space<hbm>>) dst(%arg19 : memref<1568xf32, #tpu.memory_space<vmem>>)
    %dma_wait3A_85 = arith.constant 0 : i32
    %dma_wait3A_86 = tpu.memref_slice %arg6[%dma_wait3A_85] : memref<4194304xf32, #tpu.memory_space<hbm>> -> memref<4194304xf32, #tpu.memory_space<hbm>>
    tpu.wait_indirect_dma semaphore(%arg48 : memref<!tpu.dma_semaphore, #tpu.memory_space<semaphore_mem>>) src(%dma_wait3A_86 : memref<4194304xf32, #tpu.memory_space<hbm>>) dst(%arg20 : memref<1568xf32, #tpu.memory_space<vmem>>)
    "tpu.trace_stop"() : () -> ()
    "tpu.trace_start"() <{level = 10 : i32, message = "blend"}> : () -> ()
    %scan3A_87 = arith.constant 0 : i32
    %scan3A_88 = arith.constant 0 : i32
    %scan3A_89 = arith.constant 32 : i32
    %scan3A_90 = arith.addi %scan3A_88, %scan3A_89 : i32
    %scan3A_91 = arith.constant 1 : i32
    %scan3A_92 = scf.for %scan3A_139 = %scan3A_88 to %scan3A_90 step %scan3A_91 iter_args(%scan3A_140 = %scan3A_87) -> (i32)  : i32 {
      %mul3A_141 = arith.constant 49 : i32
      %mul3A_142 = arith.muli %scan3A_139, %mul3A_141 : i32
      %add3A_143 = arith.constant 0 : i32
      %add3A_144 = arith.addi %mul3A_142, %add3A_143 : i32
      %get3A = arith.index_cast %add3A_144 : i32 to index
      %get3A_145 = tpu.vector_load %arg20[%get3A] {strides = array<i32>} : memref<1568xf32, #tpu.memory_space<vmem>>, vector<16xf32>,
      %get3A_146 = vector.shape_cast %get3A_145 : vector<16xf32> to vector<16xf32>
      %get3A_147 = arith.index_cast %add3A_144 : i32 to index
      %get3A_148 = tpu.vector_load %arg19[%get3A_147] {strides = array<i32>} : memref<1568xf32, #tpu.memory_space<vmem>>, vector<16xf32>,
      %get3A_149 = vector.shape_cast %get3A_148 : vector<16xf32> to vector<16xf32>
      %mul3A_150 = arith.mulf %get3A_146, %get3A_149 : vector<16xf32>
      %sub3A = arith.constant 1.000000e+00 : f32
      %sub3A_151 = vector.broadcast %sub3A : f32 to vector<16xf32>
      %sub3A_152 = arith.subf %sub3A_151, %get3A_146 : vector<16xf32>
      %get3A_153 = arith.index_cast %add3A_144 : i32 to index
      %get3A_154 = tpu.vector_load %arg18[%get3A_153] {strides = array<i32>} : memref<1568xf32, #tpu.memory_space<vmem>>, vector<16xf32>,
      %get3A_155 = vector.shape_cast %get3A_154 : vector<16xf32> to vector<16xf32>
      %get3A_156 = arith.index_cast %add3A_144 : i32 to index
      %get3A_157 = tpu.vector_load %arg17[%get3A_156] {strides = array<i32>} : memref<1568xf32, #tpu.memory_space<vmem>>, vector<16xf32>,
      %get3A_158 = vector.shape_cast %get3A_157 : vector<16xf32> to vector<16xf32>
      %add3A_159 = arith.addf %get3A_155, %get3A_158 : vector<16xf32>
      %mul3A_160 = arith.mulf %sub3A_152, %add3A_159 : vector<16xf32>
      %add3A_161 = arith.addf %mul3A_150, %mul3A_160 : vector<16xf32>
      %add3A_162 = arith.constant 0 : i32
      %add3A_163 = arith.addi %add3A_162, %scan3A_139 : i32
      %swap3A = arith.index_cast %add3A_163 : i32 to index
      %swap3A_164 = arith.constant 0 : index
      %swap3A_165 = tpu.vector_load %arg9[%swap3A, %swap3A_164] {strides = array<i32>} : memref<128x49xf32, #tpu.memory_space<vmem>>, vector<1x16xf32>,
      %swap3A_166 = vector.shape_cast %swap3A_165 : vector<1x16xf32> to vector<16xf32>
      %swap3A_167 = vector.shape_cast %add3A_161 : vector<16xf32> to vector<1x16xf32>
      tpu.vector_store %arg9[%swap3A, %swap3A_164], %swap3A_167 {strides = array<i32>} : memref<128x49xf32, #tpu.memory_space<vmem>>, vector<1x16xf32>,
      %mul3A_168 = arith.constant 49 : i32
      %mul3A_169 = arith.muli %scan3A_139, %mul3A_168 : i32
      %add3A_170 = arith.constant 16 : i32
      %add3A_171 = arith.addi %mul3A_169, %add3A_170 : i32
      %get3A_172 = arith.index_cast %add3A_171 : i32 to index
      %get3A_173 = tpu.vector_load %arg20[%get3A_172] {strides = array<i32>} : memref<1568xf32, #tpu.memory_space<vmem>>, vector<16xf32>,
      %get3A_174 = vector.shape_cast %get3A_173 : vector<16xf32> to vector<16xf32>
      %get3A_175 = arith.index_cast %add3A_171 : i32 to index
      %get3A_176 = tpu.vector_load %arg19[%get3A_175] {strides = array<i32>} : memref<1568xf32, #tpu.memory_space<vmem>>, vector<16xf32>,
      %get3A_177 = vector.shape_cast %get3A_176 : vector<16xf32> to vector<16xf32>
      %mul3A_178 = arith.mulf %get3A_174, %get3A_177 : vector<16xf32>
      %sub3A_179 = arith.constant 1.000000e+00 : f32
      %sub3A_180 = vector.broadcast %sub3A_179 : f32 to vector<16xf32>
      %sub3A_181 = arith.subf %sub3A_180, %get3A_174 : vector<16xf32>
      %get3A_182 = arith.index_cast %add3A_171 : i32 to index
      %get3A_183 = tpu.vector_load %arg18[%get3A_182] {strides = array<i32>} : memref<1568xf32, #tpu.memory_space<vmem>>, vector<16xf32>,
      %get3A_184 = vector.shape_cast %get3A_183 : vector<16xf32> to vector<16xf32>
      %get3A_185 = arith.index_cast %add3A_171 : i32 to index
      %get3A_186 = tpu.vector_load %arg17[%get3A_185] {strides = array<i32>} : memref<1568xf32, #tpu.memory_space<vmem>>, vector<16xf32>,
      %get3A_187 = vector.shape_cast %get3A_186 : vector<16xf32> to vector<16xf32>
      %add3A_188 = arith.addf %get3A_184, %get3A_187 : vector<16xf32>
      %mul3A_189 = arith.mulf %sub3A_181, %add3A_188 : vector<16xf32>
      %add3A_190 = arith.addf %mul3A_178, %mul3A_189 : vector<16xf32>
      %add3A_191 = arith.constant 0 : i32
      %add3A_192 = arith.addi %add3A_191, %scan3A_139 : i32
      %swap3A_193 = arith.index_cast %add3A_192 : i32 to index
      %swap3A_194 = arith.constant 16 : index
      %swap3A_195 = tpu.vector_load %arg9[%swap3A_193, %swap3A_194] {strides = array<i32>} : memref<128x49xf32, #tpu.memory_space<vmem>>, vector<1x16xf32>,
      %swap3A_196 = vector.shape_cast %swap3A_195 : vector<1x16xf32> to vector<16xf32>
      %swap3A_197 = vector.shape_cast %add3A_190 : vector<16xf32> to vector<1x16xf32>
      tpu.vector_store %arg9[%swap3A_193, %swap3A_194], %swap3A_197 {strides = array<i32>} : memref<128x49xf32, #tpu.memory_space<vmem>>, vector<1x16xf32>,
      %mul3A_198 = arith.constant 49 : i32
      %mul3A_199 = arith.muli %scan3A_139, %mul3A_198 : i32
      %add3A_200 = arith.constant 32 : i32
      %add3A_201 = arith.addi %mul3A_199, %add3A_200 : i32
      %get3A_202 = arith.index_cast %add3A_201 : i32 to index
      %get3A_203 = tpu.vector_load %arg20[%get3A_202] {strides = array<i32>} : memref<1568xf32, #tpu.memory_space<vmem>>, vector<16xf32>,
      %get3A_204 = vector.shape_cast %get3A_203 : vector<16xf32> to vector<16xf32>
      %get3A_205 = arith.index_cast %add3A_201 : i32 to index
      %get3A_206 = tpu.vector_load %arg19[%get3A_205] {strides = array<i32>} : memref<1568xf32, #tpu.memory_space<vmem>>, vector<16xf32>,
      %get3A_207 = vector.shape_cast %get3A_206 : vector<16xf32> to vector<16xf32>
      %mul3A_208 = arith.mulf %get3A_204, %get3A_207 : vector<16xf32>
      %sub3A_209 = arith.constant 1.000000e+00 : f32
      %sub3A_210 = vector.broadcast %sub3A_209 : f32 to vector<16xf32>
      %sub3A_211 = arith.subf %sub3A_210, %get3A_204 : vector<16xf32>
      %get3A_212 = arith.index_cast %add3A_201 : i32 to index
      %get3A_213 = tpu.vector_load %arg18[%get3A_212] {strides = array<i32>} : memref<1568xf32, #tpu.memory_space<vmem>>, vector<16xf32>,
      %get3A_214 = vector.shape_cast %get3A_213 : vector<16xf32> to vector<16xf32>
      %get3A_215 = arith.index_cast %add3A_201 : i32 to index
      %get3A_216 = tpu.vector_load %arg17[%get3A_215] {strides = array<i32>} : memref<1568xf32, #tpu.memory_space<vmem>>, vector<16xf32>,
      %get3A_217 = vector.shape_cast %get3A_216 : vector<16xf32> to vector<16xf32>
      %add3A_218 = arith.addf %get3A_214, %get3A_217 : vector<16xf32>
      %mul3A_219 = arith.mulf %sub3A_211, %add3A_218 : vector<16xf32>
      %add3A_220 = arith.addf %mul3A_208, %mul3A_219 : vector<16xf32>
      %add3A_221 = arith.constant 0 : i32
      %add3A_222 = arith.addi %add3A_221, %scan3A_139 : i32
      %swap3A_223 = arith.index_cast %add3A_222 : i32 to index
      %swap3A_224 = arith.constant 32 : index
      %swap3A_225 = tpu.vector_load %arg9[%swap3A_223, %swap3A_224] {strides = array<i32>} : memref<128x49xf32, #tpu.memory_space<vmem>>, vector<1x16xf32>,
      %swap3A_226 = vector.shape_cast %swap3A_225 : vector<1x16xf32> to vector<16xf32>
      %swap3A_227 = vector.shape_cast %add3A_220 : vector<16xf32> to vector<1x16xf32>
      tpu.vector_store %arg9[%swap3A_223, %swap3A_224], %swap3A_227 {strides = array<i32>} : memref<128x49xf32, #tpu.memory_space<vmem>>, vector<1x16xf32>,
      %mul3A_228 = arith.constant 49 : i32
      %mul3A_229 = arith.muli %scan3A_139, %mul3A_228 : i32
      %add3A_230 = arith.constant 33 : i32
      %add3A_231 = arith.addi %mul3A_229, %add3A_230 : i32
      %get3A_232 = arith.index_cast %add3A_231 : i32 to index
      %get3A_233 = tpu.vector_load %arg20[%get3A_232] {strides = array<i32>} : memref<1568xf32, #tpu.memory_space<vmem>>, vector<16xf32>,
      %get3A_234 = vector.shape_cast %get3A_233 : vector<16xf32> to vector<16xf32>
      %get3A_235 = arith.index_cast %add3A_231 : i32 to index
      %get3A_236 = tpu.vector_load %arg19[%get3A_235] {strides = array<i32>} : memref<1568xf32, #tpu.memory_space<vmem>>, vector<16xf32>,
      %get3A_237 = vector.shape_cast %get3A_236 : vector<16xf32> to vector<16xf32>
      %mul3A_238 = arith.mulf %get3A_234, %get3A_237 : vector<16xf32>
      %sub3A_239 = arith.constant 1.000000e+00 : f32
      %sub3A_240 = vector.broadcast %sub3A_239 : f32 to vector<16xf32>
      %sub3A_241 = arith.subf %sub3A_240, %get3A_234 : vector<16xf32>
      %get3A_242 = arith.index_cast %add3A_231 : i32 to index
      %get3A_243 = tpu.vector_load %arg18[%get3A_242] {strides = array<i32>} : memref<1568xf32, #tpu.memory_space<vmem>>, vector<16xf32>,
      %get3A_244 = vector.shape_cast %get3A_243 : vector<16xf32> to vector<16xf32>
      %get3A_245 = arith.index_cast %add3A_231 : i32 to index
      %get3A_246 = tpu.vector_load %arg17[%get3A_245] {strides = array<i32>} : memref<1568xf32, #tpu.memory_space<vmem>>, vector<16xf32>,
      %get3A_247 = vector.shape_cast %get3A_246 : vector<16xf32> to vector<16xf32>
      %add3A_248 = arith.addf %get3A_244, %get3A_247 : vector<16xf32>
      %mul3A_249 = arith.mulf %sub3A_241, %add3A_248 : vector<16xf32>
      %add3A_250 = arith.addf %mul3A_238, %mul3A_249 : vector<16xf32>
      %add3A_251 = arith.constant 0 : i32
      %add3A_252 = arith.addi %add3A_251, %scan3A_139 : i32
      %swap3A_253 = arith.index_cast %add3A_252 : i32 to index
      %swap3A_254 = arith.constant 33 : index
      %swap3A_255 = tpu.vector_load %arg9[%swap3A_253, %swap3A_254] {strides = array<i32>} : memref<128x49xf32, #tpu.memory_space<vmem>>, vector<1x16xf32>,
      %swap3A_256 = vector.shape_cast %swap3A_255 : vector<1x16xf32> to vector<16xf32>
      %swap3A_257 = vector.shape_cast %add3A_250 : vector<16xf32> to vector<1x16xf32>
      tpu.vector_store %arg9[%swap3A_253, %swap3A_254], %swap3A_257 {strides = array<i32>} : memref<128x49xf32, #tpu.memory_space<vmem>>, vector<1x16xf32>,
      %scan3A_258 = arith.constant 0 : i32
      scf.yield %scan3A_258 : i32
    }
    %scan3A_93 = arith.constant 32 : i32
    "tpu.trace_stop"() : () -> ()
    "tpu.trace_start"() <{level = 10 : i32, message = "wait_q"}> : () -> ()
    %dma_wait3A_94 = arith.constant 0 : i32
    %dma_wait3A_95 = tpu.memref_slice %arg12[%dma_wait3A_94] : memref<100000xf32, #tpu.memory_space<vmem_shared>> -> memref<100000xf32, #tpu.memory_space<vmem_shared>>
    tpu.wait_indirect_dma semaphore(%arg49 : memref<!tpu.dma_semaphore, #tpu.memory_space<semaphore_mem>>) src(%dma_wait3A_95 : memref<100000xf32, #tpu.memory_space<vmem_shared>>) dst(%arg24 : memref<1568xf32, #tpu.memory_space<vmem>>)
    %dma_wait3A_96 = arith.constant 0 : i32
    %dma_wait3A_97 = tpu.memref_slice %arg13[%dma_wait3A_96] : memref<100000xf32, #tpu.memory_space<vmem_shared>> -> memref<100000xf32, #tpu.memory_space<vmem_shared>>
    tpu.wait_indirect_dma semaphore(%arg50 : memref<!tpu.dma_semaphore, #tpu.memory_space<semaphore_mem>>) src(%dma_wait3A_97 : memref<100000xf32, #tpu.memory_space<vmem_shared>>) dst(%arg25 : memref<1568xf32, #tpu.memory_space<vmem>>)
    %dma_wait3A_98 = arith.constant 0 : i32
    %dma_wait3A_99 = tpu.memref_slice %arg5[%dma_wait3A_98] : memref<4194304xf32, #tpu.memory_space<hbm>> -> memref<4194304xf32, #tpu.memory_space<hbm>>
    tpu.wait_indirect_dma semaphore(%arg51 : memref<!tpu.dma_semaphore, #tpu.memory_space<semaphore_mem>>) src(%dma_wait3A_99 : memref<4194304xf32, #tpu.memory_space<hbm>>) dst(%arg26 : memref<1568xf32, #tpu.memory_space<vmem>>)
    %dma_wait3A_100 = arith.constant 0 : i32
    %dma_wait3A_101 = tpu.memref_slice %arg6[%dma_wait3A_100] : memref<4194304xf32, #tpu.memory_space<hbm>> -> memref<4194304xf32, #tpu.memory_space<hbm>>
    tpu.wait_indirect_dma semaphore(%arg52 : memref<!tpu.dma_semaphore, #tpu.memory_space<semaphore_mem>>) src(%dma_wait3A_101 : memref<4194304xf32, #tpu.memory_space<hbm>>) dst(%arg27 : memref<1568xf32, #tpu.memory_space<vmem>>)
    "tpu.trace_stop"() : () -> ()
    "tpu.trace_start"() <{level = 10 : i32, message = "blend"}> : () -> ()
    %scan3A_102 = arith.constant 0 : i32
    %scan3A_103 = arith.constant 0 : i32
    %scan3A_104 = arith.constant 32 : i32
    %scan3A_105 = arith.addi %scan3A_103, %scan3A_104 : i32
    %scan3A_106 = arith.constant 1 : i32
    %scan3A_107 = scf.for %scan3A_139 = %scan3A_103 to %scan3A_105 step %scan3A_106 iter_args(%scan3A_140 = %scan3A_102) -> (i32)  : i32 {
      %mul3A_141 = arith.constant 49 : i32
      %mul3A_142 = arith.muli %scan3A_139, %mul3A_141 : i32
      %add3A_143 = arith.constant 0 : i32
      %add3A_144 = arith.addi %mul3A_142, %add3A_143 : i32
      %get3A = arith.index_cast %add3A_144 : i32 to index
      %get3A_145 = tpu.vector_load %arg27[%get3A] {strides = array<i32>} : memref<1568xf32, #tpu.memory_space<vmem>>, vector<16xf32>,
      %get3A_146 = vector.shape_cast %get3A_145 : vector<16xf32> to vector<16xf32>
      %get3A_147 = arith.index_cast %add3A_144 : i32 to index
      %get3A_148 = tpu.vector_load %arg26[%get3A_147] {strides = array<i32>} : memref<1568xf32, #tpu.memory_space<vmem>>, vector<16xf32>,
      %get3A_149 = vector.shape_cast %get3A_148 : vector<16xf32> to vector<16xf32>
      %mul3A_150 = arith.mulf %get3A_146, %get3A_149 : vector<16xf32>
      %sub3A = arith.constant 1.000000e+00 : f32
      %sub3A_151 = vector.broadcast %sub3A : f32 to vector<16xf32>
      %sub3A_152 = arith.subf %sub3A_151, %get3A_146 : vector<16xf32>
      %get3A_153 = arith.index_cast %add3A_144 : i32 to index
      %get3A_154 = tpu.vector_load %arg25[%get3A_153] {strides = array<i32>} : memref<1568xf32, #tpu.memory_space<vmem>>, vector<16xf32>,
      %get3A_155 = vector.shape_cast %get3A_154 : vector<16xf32> to vector<16xf32>
      %get3A_156 = arith.index_cast %add3A_144 : i32 to index
      %get3A_157 = tpu.vector_load %arg24[%get3A_156] {strides = array<i32>} : memref<1568xf32, #tpu.memory_space<vmem>>, vector<16xf32>,
      %get3A_158 = vector.shape_cast %get3A_157 : vector<16xf32> to vector<16xf32>
      %add3A_159 = arith.addf %get3A_155, %get3A_158 : vector<16xf32>
      %mul3A_160 = arith.mulf %sub3A_152, %add3A_159 : vector<16xf32>
      %add3A_161 = arith.addf %mul3A_150, %mul3A_160 : vector<16xf32>
      %add3A_162 = arith.constant 32 : i32
      %add3A_163 = arith.addi %add3A_162, %scan3A_139 : i32
      %swap3A = arith.index_cast %add3A_163 : i32 to index
      %swap3A_164 = arith.constant 0 : index
      %swap3A_165 = tpu.vector_load %arg9[%swap3A, %swap3A_164] {strides = array<i32>} : memref<128x49xf32, #tpu.memory_space<vmem>>, vector<1x16xf32>,
      %swap3A_166 = vector.shape_cast %swap3A_165 : vector<1x16xf32> to vector<16xf32>
      %swap3A_167 = vector.shape_cast %add3A_161 : vector<16xf32> to vector<1x16xf32>
      tpu.vector_store %arg9[%swap3A, %swap3A_164], %swap3A_167 {strides = array<i32>} : memref<128x49xf32, #tpu.memory_space<vmem>>, vector<1x16xf32>,
      %mul3A_168 = arith.constant 49 : i32
      %mul3A_169 = arith.muli %scan3A_139, %mul3A_168 : i32
      %add3A_170 = arith.constant 16 : i32
      %add3A_171 = arith.addi %mul3A_169, %add3A_170 : i32
      %get3A_172 = arith.index_cast %add3A_171 : i32 to index
      %get3A_173 = tpu.vector_load %arg27[%get3A_172] {strides = array<i32>} : memref<1568xf32, #tpu.memory_space<vmem>>, vector<16xf32>,
      %get3A_174 = vector.shape_cast %get3A_173 : vector<16xf32> to vector<16xf32>
      %get3A_175 = arith.index_cast %add3A_171 : i32 to index
      %get3A_176 = tpu.vector_load %arg26[%get3A_175] {strides = array<i32>} : memref<1568xf32, #tpu.memory_space<vmem>>, vector<16xf32>,
      %get3A_177 = vector.shape_cast %get3A_176 : vector<16xf32> to vector<16xf32>
      %mul3A_178 = arith.mulf %get3A_174, %get3A_177 : vector<16xf32>
      %sub3A_179 = arith.constant 1.000000e+00 : f32
      %sub3A_180 = vector.broadcast %sub3A_179 : f32 to vector<16xf32>
      %sub3A_181 = arith.subf %sub3A_180, %get3A_174 : vector<16xf32>
      %get3A_182 = arith.index_cast %add3A_171 : i32 to index
      %get3A_183 = tpu.vector_load %arg25[%get3A_182] {strides = array<i32>} : memref<1568xf32, #tpu.memory_space<vmem>>, vector<16xf32>,
      %get3A_184 = vector.shape_cast %get3A_183 : vector<16xf32> to vector<16xf32>
      %get3A_185 = arith.index_cast %add3A_171 : i32 to index
      %get3A_186 = tpu.vector_load %arg24[%get3A_185] {strides = array<i32>} : memref<1568xf32, #tpu.memory_space<vmem>>, vector<16xf32>,
      %get3A_187 = vector.shape_cast %get3A_186 : vector<16xf32> to vector<16xf32>
      %add3A_188 = arith.addf %get3A_184, %get3A_187 : vector<16xf32>
      %mul3A_189 = arith.mulf %sub3A_181, %add3A_188 : vector<16xf32>
      %add3A_190 = arith.addf %mul3A_178, %mul3A_189 : vector<16xf32>
      %add3A_191 = arith.constant 32 : i32
      %add3A_192 = arith.addi %add3A_191, %scan3A_139 : i32
      %swap3A_193 = arith.index_cast %add3A_192 : i32 to index
      %swap3A_194 = arith.constant 16 : index
      %swap3A_195 = tpu.vector_load %arg9[%swap3A_193, %swap3A_194] {strides = array<i32>} : memref<128x49xf32, #tpu.memory_space<vmem>>, vector<1x16xf32>,
      %swap3A_196 = vector.shape_cast %swap3A_195 : vector<1x16xf32> to vector<16xf32>
      %swap3A_197 = vector.shape_cast %add3A_190 : vector<16xf32> to vector<1x16xf32>
      tpu.vector_store %arg9[%swap3A_193, %swap3A_194], %swap3A_197 {strides = array<i32>} : memref<128x49xf32, #tpu.memory_space<vmem>>, vector<1x16xf32>,
      %mul3A_198 = arith.constant 49 : i32
      %mul3A_199 = arith.muli %scan3A_139, %mul3A_198 : i32
      %add3A_200 = arith.constant 32 : i32
      %add3A_201 = arith.addi %mul3A_199, %add3A_200 : i32
      %get3A_202 = arith.index_cast %add3A_201 : i32 to index
      %get3A_203 = tpu.vector_load %arg27[%get3A_202] {strides = array<i32>} : memref<1568xf32, #tpu.memory_space<vmem>>, vector<16xf32>,
      %get3A_204 = vector.shape_cast %get3A_203 : vector<16xf32> to vector<16xf32>
      %get3A_205 = arith.index_cast %add3A_201 : i32 to index
      %get3A_206 = tpu.vector_load %arg26[%get3A_205] {strides = array<i32>} : memref<1568xf32, #tpu.memory_space<vmem>>, vector<16xf32>,
      %get3A_207 = vector.shape_cast %get3A_206 : vector<16xf32> to vector<16xf32>
      %mul3A_208 = arith.mulf %get3A_204, %get3A_207 : vector<16xf32>
      %sub3A_209 = arith.constant 1.000000e+00 : f32
      %sub3A_210 = vector.broadcast %sub3A_209 : f32 to vector<16xf32>
      %sub3A_211 = arith.subf %sub3A_210, %get3A_204 : vector<16xf32>
      %get3A_212 = arith.index_cast %add3A_201 : i32 to index
      %get3A_213 = tpu.vector_load %arg25[%get3A_212] {strides = array<i32>} : memref<1568xf32, #tpu.memory_space<vmem>>, vector<16xf32>,
      %get3A_214 = vector.shape_cast %get3A_213 : vector<16xf32> to vector<16xf32>
      %get3A_215 = arith.index_cast %add3A_201 : i32 to index
      %get3A_216 = tpu.vector_load %arg24[%get3A_215] {strides = array<i32>} : memref<1568xf32, #tpu.memory_space<vmem>>, vector<16xf32>,
      %get3A_217 = vector.shape_cast %get3A_216 : vector<16xf32> to vector<16xf32>
      %add3A_218 = arith.addf %get3A_214, %get3A_217 : vector<16xf32>
      %mul3A_219 = arith.mulf %sub3A_211, %add3A_218 : vector<16xf32>
      %add3A_220 = arith.addf %mul3A_208, %mul3A_219 : vector<16xf32>
      %add3A_221 = arith.constant 32 : i32
      %add3A_222 = arith.addi %add3A_221, %scan3A_139 : i32
      %swap3A_223 = arith.index_cast %add3A_222 : i32 to index
      %swap3A_224 = arith.constant 32 : index
      %swap3A_225 = tpu.vector_load %arg9[%swap3A_223, %swap3A_224] {strides = array<i32>} : memref<128x49xf32, #tpu.memory_space<vmem>>, vector<1x16xf32>,
      %swap3A_226 = vector.shape_cast %swap3A_225 : vector<1x16xf32> to vector<16xf32>
      %swap3A_227 = vector.shape_cast %add3A_220 : vector<16xf32> to vector<1x16xf32>
      tpu.vector_store %arg9[%swap3A_223, %swap3A_224], %swap3A_227 {strides = array<i32>} : memref<128x49xf32, #tpu.memory_space<vmem>>, vector<1x16xf32>,
      %mul3A_228 = arith.constant 49 : i32
      %mul3A_229 = arith.muli %scan3A_139, %mul3A_228 : i32
      %add3A_230 = arith.constant 33 : i32
      %add3A_231 = arith.addi %mul3A_229, %add3A_230 : i32
      %get3A_232 = arith.index_cast %add3A_231 : i32 to index
      %get3A_233 = tpu.vector_load %arg27[%get3A_232] {strides = array<i32>} : memref<1568xf32, #tpu.memory_space<vmem>>, vector<16xf32>,
      %get3A_234 = vector.shape_cast %get3A_233 : vector<16xf32> to vector<16xf32>
      %get3A_235 = arith.index_cast %add3A_231 : i32 to index
      %get3A_236 = tpu.vector_load %arg26[%get3A_235] {strides = array<i32>} : memref<1568xf32, #tpu.memory_space<vmem>>, vector<16xf32>,
      %get3A_237 = vector.shape_cast %get3A_236 : vector<16xf32> to vector<16xf32>
      %mul3A_238 = arith.mulf %get3A_234, %get3A_237 : vector<16xf32>
      %sub3A_239 = arith.constant 1.000000e+00 : f32
      %sub3A_240 = vector.broadcast %sub3A_239 : f32 to vector<16xf32>
      %sub3A_241 = arith.subf %sub3A_240, %get3A_234 : vector<16xf32>
      %get3A_242 = arith.index_cast %add3A_231 : i32 to index
      %get3A_243 = tpu.vector_load %arg25[%get3A_242] {strides = array<i32>} : memref<1568xf32, #tpu.memory_space<vmem>>, vector<16xf32>,
      %get3A_244 = vector.shape_cast %get3A_243 : vector<16xf32> to vector<16xf32>
      %get3A_245 = arith.index_cast %add3A_231 : i32 to index
      %get3A_246 = tpu.vector_load %arg24[%get3A_245] {strides = array<i32>} : memref<1568xf32, #tpu.memory_space<vmem>>, vector<16xf32>,
      %get3A_247 = vector.shape_cast %get3A_246 : vector<16xf32> to vector<16xf32>
      %add3A_248 = arith.addf %get3A_244, %get3A_247 : vector<16xf32>
      %mul3A_249 = arith.mulf %sub3A_241, %add3A_248 : vector<16xf32>
      %add3A_250 = arith.addf %mul3A_238, %mul3A_249 : vector<16xf32>
      %add3A_251 = arith.constant 32 : i32
      %add3A_252 = arith.addi %add3A_251, %scan3A_139 : i32
      %swap3A_253 = arith.index_cast %add3A_252 : i32 to index
      %swap3A_254 = arith.constant 33 : index
      %swap3A_255 = tpu.vector_load %arg9[%swap3A_253, %swap3A_254] {strides = array<i32>} : memref<128x49xf32, #tpu.memory_space<vmem>>, vector<1x16xf32>,
      %swap3A_256 = vector.shape_cast %swap3A_255 : vector<1x16xf32> to vector<16xf32>
      %swap3A_257 = vector.shape_cast %add3A_250 : vector<16xf32> to vector<1x16xf32>
      tpu.vector_store %arg9[%swap3A_253, %swap3A_254], %swap3A_257 {strides = array<i32>} : memref<128x49xf32, #tpu.memory_space<vmem>>, vector<1x16xf32>,
      %scan3A_258 = arith.constant 0 : i32
      scf.yield %scan3A_258 : i32
    }
    %scan3A_108 = arith.constant 32 : i32
    "tpu.trace_stop"() : () -> ()
    "tpu.trace_start"() <{level = 10 : i32, message = "wait_q"}> : () -> ()
    %dma_wait3A_109 = arith.constant 0 : i32
    %dma_wait3A_110 = tpu.memref_slice %arg12[%dma_wait3A_109] : memref<100000xf32, #tpu.memory_space<vmem_shared>> -> memref<100000xf32, #tpu.memory_space<vmem_shared>>
    tpu.wait_indirect_dma semaphore(%arg53 : memref<!tpu.dma_semaphore, #tpu.memory_space<semaphore_mem>>) src(%dma_wait3A_110 : memref<100000xf32, #tpu.memory_space<vmem_shared>>) dst(%arg31 : memref<1568xf32, #tpu.memory_space<vmem>>)
    %dma_wait3A_111 = arith.constant 0 : i32
    %dma_wait3A_112 = tpu.memref_slice %arg13[%dma_wait3A_111] : memref<100000xf32, #tpu.memory_space<vmem_shared>> -> memref<100000xf32, #tpu.memory_space<vmem_shared>>
    tpu.wait_indirect_dma semaphore(%arg54 : memref<!tpu.dma_semaphore, #tpu.memory_space<semaphore_mem>>) src(%dma_wait3A_112 : memref<100000xf32, #tpu.memory_space<vmem_shared>>) dst(%arg32 : memref<1568xf32, #tpu.memory_space<vmem>>)
    %dma_wait3A_113 = arith.constant 0 : i32
    %dma_wait3A_114 = tpu.memref_slice %arg5[%dma_wait3A_113] : memref<4194304xf32, #tpu.memory_space<hbm>> -> memref<4194304xf32, #tpu.memory_space<hbm>>
    tpu.wait_indirect_dma semaphore(%arg55 : memref<!tpu.dma_semaphore, #tpu.memory_space<semaphore_mem>>) src(%dma_wait3A_114 : memref<4194304xf32, #tpu.memory_space<hbm>>) dst(%arg33 : memref<1568xf32, #tpu.memory_space<vmem>>)
    %dma_wait3A_115 = arith.constant 0 : i32
    %dma_wait3A_116 = tpu.memref_slice %arg6[%dma_wait3A_115] : memref<4194304xf32, #tpu.memory_space<hbm>> -> memref<4194304xf32, #tpu.memory_space<hbm>>
    tpu.wait_indirect_dma semaphore(%arg56 : memref<!tpu.dma_semaphore, #tpu.memory_space<semaphore_mem>>) src(%dma_wait3A_116 : memref<4194304xf32, #tpu.memory_space<hbm>>) dst(%arg34 : memref<1568xf32, #tpu.memory_space<vmem>>)
    "tpu.trace_stop"() : () -> ()
    "tpu.trace_start"() <{level = 10 : i32, message = "blend"}> : () -> ()
    %scan3A_117 = arith.constant 0 : i32
    %scan3A_118 = arith.constant 0 : i32
    %scan3A_119 = arith.constant 32 : i32
    %scan3A_120 = arith.addi %scan3A_118, %scan3A_119 : i32
    %scan3A_121 = arith.constant 1 : i32
    %scan3A_122 = scf.for %scan3A_139 = %scan3A_118 to %scan3A_120 step %scan3A_121 iter_args(%scan3A_140 = %scan3A_117) -> (i32)  : i32 {
      %mul3A_141 = arith.constant 49 : i32
      %mul3A_142 = arith.muli %scan3A_139, %mul3A_141 : i32
      %add3A_143 = arith.constant 0 : i32
      %add3A_144 = arith.addi %mul3A_142, %add3A_143 : i32
      %get3A = arith.index_cast %add3A_144 : i32 to index
      %get3A_145 = tpu.vector_load %arg34[%get3A] {strides = array<i32>} : memref<1568xf32, #tpu.memory_space<vmem>>, vector<16xf32>,
      %get3A_146 = vector.shape_cast %get3A_145 : vector<16xf32> to vector<16xf32>
      %get3A_147 = arith.index_cast %add3A_144 : i32 to index
      %get3A_148 = tpu.vector_load %arg33[%get3A_147] {strides = array<i32>} : memref<1568xf32, #tpu.memory_space<vmem>>, vector<16xf32>,
      %get3A_149 = vector.shape_cast %get3A_148 : vector<16xf32> to vector<16xf32>
      %mul3A_150 = arith.mulf %get3A_146, %get3A_149 : vector<16xf32>
      %sub3A = arith.constant 1.000000e+00 : f32
      %sub3A_151 = vector.broadcast %sub3A : f32 to vector<16xf32>
      %sub3A_152 = arith.subf %sub3A_151, %get3A_146 : vector<16xf32>
      %get3A_153 = arith.index_cast %add3A_144 : i32 to index
      %get3A_154 = tpu.vector_load %arg32[%get3A_153] {strides = array<i32>} : memref<1568xf32, #tpu.memory_space<vmem>>, vector<16xf32>,
      %get3A_155 = vector.shape_cast %get3A_154 : vector<16xf32> to vector<16xf32>
      %get3A_156 = arith.index_cast %add3A_144 : i32 to index
      %get3A_157 = tpu.vector_load %arg31[%get3A_156] {strides = array<i32>} : memref<1568xf32, #tpu.memory_space<vmem>>, vector<16xf32>,
      %get3A_158 = vector.shape_cast %get3A_157 : vector<16xf32> to vector<16xf32>
      %add3A_159 = arith.addf %get3A_155, %get3A_158 : vector<16xf32>
      %mul3A_160 = arith.mulf %sub3A_152, %add3A_159 : vector<16xf32>
      %add3A_161 = arith.addf %mul3A_150, %mul3A_160 : vector<16xf32>
      %add3A_162 = arith.constant 64 : i32
      %add3A_163 = arith.addi %add3A_162, %scan3A_139 : i32
      %swap3A = arith.index_cast %add3A_163 : i32 to index
      %swap3A_164 = arith.constant 0 : index
      %swap3A_165 = tpu.vector_load %arg9[%swap3A, %swap3A_164] {strides = array<i32>} : memref<128x49xf32, #tpu.memory_space<vmem>>, vector<1x16xf32>,
      %swap3A_166 = vector.shape_cast %swap3A_165 : vector<1x16xf32> to vector<16xf32>
      %swap3A_167 = vector.shape_cast %add3A_161 : vector<16xf32> to vector<1x16xf32>
      tpu.vector_store %arg9[%swap3A, %swap3A_164], %swap3A_167 {strides = array<i32>} : memref<128x49xf32, #tpu.memory_space<vmem>>, vector<1x16xf32>,
      %mul3A_168 = arith.constant 49 : i32
      %mul3A_169 = arith.muli %scan3A_139, %mul3A_168 : i32
      %add3A_170 = arith.constant 16 : i32
      %add3A_171 = arith.addi %mul3A_169, %add3A_170 : i32
      %get3A_172 = arith.index_cast %add3A_171 : i32 to index
      %get3A_173 = tpu.vector_load %arg34[%get3A_172] {strides = array<i32>} : memref<1568xf32, #tpu.memory_space<vmem>>, vector<16xf32>,
      %get3A_174 = vector.shape_cast %get3A_173 : vector<16xf32> to vector<16xf32>
      %get3A_175 = arith.index_cast %add3A_171 : i32 to index
      %get3A_176 = tpu.vector_load %arg33[%get3A_175] {strides = array<i32>} : memref<1568xf32, #tpu.memory_space<vmem>>, vector<16xf32>,
      %get3A_177 = vector.shape_cast %get3A_176 : vector<16xf32> to vector<16xf32>
      %mul3A_178 = arith.mulf %get3A_174, %get3A_177 : vector<16xf32>
      %sub3A_179 = arith.constant 1.000000e+00 : f32
      %sub3A_180 = vector.broadcast %sub3A_179 : f32 to vector<16xf32>
      %sub3A_181 = arith.subf %sub3A_180, %get3A_174 : vector<16xf32>
      %get3A_182 = arith.index_cast %add3A_171 : i32 to index
      %get3A_183 = tpu.vector_load %arg32[%get3A_182] {strides = array<i32>} : memref<1568xf32, #tpu.memory_space<vmem>>, vector<16xf32>,
      %get3A_184 = vector.shape_cast %get3A_183 : vector<16xf32> to vector<16xf32>
      %get3A_185 = arith.index_cast %add3A_171 : i32 to index
      %get3A_186 = tpu.vector_load %arg31[%get3A_185] {strides = array<i32>} : memref<1568xf32, #tpu.memory_space<vmem>>, vector<16xf32>,
      %get3A_187 = vector.shape_cast %get3A_186 : vector<16xf32> to vector<16xf32>
      %add3A_188 = arith.addf %get3A_184, %get3A_187 : vector<16xf32>
      %mul3A_189 = arith.mulf %sub3A_181, %add3A_188 : vector<16xf32>
      %add3A_190 = arith.addf %mul3A_178, %mul3A_189 : vector<16xf32>
      %add3A_191 = arith.constant 64 : i32
      %add3A_192 = arith.addi %add3A_191, %scan3A_139 : i32
      %swap3A_193 = arith.index_cast %add3A_192 : i32 to index
      %swap3A_194 = arith.constant 16 : index
      %swap3A_195 = tpu.vector_load %arg9[%swap3A_193, %swap3A_194] {strides = array<i32>} : memref<128x49xf32, #tpu.memory_space<vmem>>, vector<1x16xf32>,
      %swap3A_196 = vector.shape_cast %swap3A_195 : vector<1x16xf32> to vector<16xf32>
      %swap3A_197 = vector.shape_cast %add3A_190 : vector<16xf32> to vector<1x16xf32>
      tpu.vector_store %arg9[%swap3A_193, %swap3A_194], %swap3A_197 {strides = array<i32>} : memref<128x49xf32, #tpu.memory_space<vmem>>, vector<1x16xf32>,
      %mul3A_198 = arith.constant 49 : i32
      %mul3A_199 = arith.muli %scan3A_139, %mul3A_198 : i32
      %add3A_200 = arith.constant 32 : i32
      %add3A_201 = arith.addi %mul3A_199, %add3A_200 : i32
      %get3A_202 = arith.index_cast %add3A_201 : i32 to index
      %get3A_203 = tpu.vector_load %arg34[%get3A_202] {strides = array<i32>} : memref<1568xf32, #tpu.memory_space<vmem>>, vector<16xf32>,
      %get3A_204 = vector.shape_cast %get3A_203 : vector<16xf32> to vector<16xf32>
      %get3A_205 = arith.index_cast %add3A_201 : i32 to index
      %get3A_206 = tpu.vector_load %arg33[%get3A_205] {strides = array<i32>} : memref<1568xf32, #tpu.memory_space<vmem>>, vector<16xf32>,
      %get3A_207 = vector.shape_cast %get3A_206 : vector<16xf32> to vector<16xf32>
      %mul3A_208 = arith.mulf %get3A_204, %get3A_207 : vector<16xf32>
      %sub3A_209 = arith.constant 1.000000e+00 : f32
      %sub3A_210 = vector.broadcast %sub3A_209 : f32 to vector<16xf32>
      %sub3A_211 = arith.subf %sub3A_210, %get3A_204 : vector<16xf32>
      %get3A_212 = arith.index_cast %add3A_201 : i32 to index
      %get3A_213 = tpu.vector_load %arg32[%get3A_212] {strides = array<i32>} : memref<1568xf32, #tpu.memory_space<vmem>>, vector<16xf32>,
      %get3A_214 = vector.shape_cast %get3A_213 : vector<16xf32> to vector<16xf32>
      %get3A_215 = arith.index_cast %add3A_201 : i32 to index
      %get3A_216 = tpu.vector_load %arg31[%get3A_215] {strides = array<i32>} : memref<1568xf32, #tpu.memory_space<vmem>>, vector<16xf32>,
      %get3A_217 = vector.shape_cast %get3A_216 : vector<16xf32> to vector<16xf32>
      %add3A_218 = arith.addf %get3A_214, %get3A_217 : vector<16xf32>
      %mul3A_219 = arith.mulf %sub3A_211, %add3A_218 : vector<16xf32>
      %add3A_220 = arith.addf %mul3A_208, %mul3A_219 : vector<16xf32>
      %add3A_221 = arith.constant 64 : i32
      %add3A_222 = arith.addi %add3A_221, %scan3A_139 : i32
      %swap3A_223 = arith.index_cast %add3A_222 : i32 to index
      %swap3A_224 = arith.constant 32 : index
      %swap3A_225 = tpu.vector_load %arg9[%swap3A_223, %swap3A_224] {strides = array<i32>} : memref<128x49xf32, #tpu.memory_space<vmem>>, vector<1x16xf32>,
      %swap3A_226 = vector.shape_cast %swap3A_225 : vector<1x16xf32> to vector<16xf32>
      %swap3A_227 = vector.shape_cast %add3A_220 : vector<16xf32> to vector<1x16xf32>
      tpu.vector_store %arg9[%swap3A_223, %swap3A_224], %swap3A_227 {strides = array<i32>} : memref<128x49xf32, #tpu.memory_space<vmem>>, vector<1x16xf32>,
      %mul3A_228 = arith.constant 49 : i32
      %mul3A_229 = arith.muli %scan3A_139, %mul3A_228 : i32
      %add3A_230 = arith.constant 33 : i32
      %add3A_231 = arith.addi %mul3A_229, %add3A_230 : i32
      %get3A_232 = arith.index_cast %add3A_231 : i32 to index
      %get3A_233 = tpu.vector_load %arg34[%get3A_232] {strides = array<i32>} : memref<1568xf32, #tpu.memory_space<vmem>>, vector<16xf32>,
      %get3A_234 = vector.shape_cast %get3A_233 : vector<16xf32> to vector<16xf32>
      %get3A_235 = arith.index_cast %add3A_231 : i32 to index
      %get3A_236 = tpu.vector_load %arg33[%get3A_235] {strides = array<i32>} : memref<1568xf32, #tpu.memory_space<vmem>>, vector<16xf32>,
      %get3A_237 = vector.shape_cast %get3A_236 : vector<16xf32> to vector<16xf32>
      %mul3A_238 = arith.mulf %get3A_234, %get3A_237 : vector<16xf32>
      %sub3A_239 = arith.constant 1.000000e+00 : f32
      %sub3A_240 = vector.broadcast %sub3A_239 : f32 to vector<16xf32>
      %sub3A_241 = arith.subf %sub3A_240, %get3A_234 : vector<16xf32>
      %get3A_242 = arith.index_cast %add3A_231 : i32 to index
      %get3A_243 = tpu.vector_load %arg32[%get3A_242] {strides = array<i32>} : memref<1568xf32, #tpu.memory_space<vmem>>, vector<16xf32>,
      %get3A_244 = vector.shape_cast %get3A_243 : vector<16xf32> to vector<16xf32>
      %get3A_245 = arith.index_cast %add3A_231 : i32 to index
      %get3A_246 = tpu.vector_load %arg31[%get3A_245] {strides = array<i32>} : memref<1568xf32, #tpu.memory_space<vmem>>, vector<16xf32>,
      %get3A_247 = vector.shape_cast %get3A_246 : vector<16xf32> to vector<16xf32>
      %add3A_248 = arith.addf %get3A_244, %get3A_247 : vector<16xf32>
      %mul3A_249 = arith.mulf %sub3A_241, %add3A_248 : vector<16xf32>
      %add3A_250 = arith.addf %mul3A_238, %mul3A_249 : vector<16xf32>
      %add3A_251 = arith.constant 64 : i32
      %add3A_252 = arith.addi %add3A_251, %scan3A_139 : i32
      %swap3A_253 = arith.index_cast %add3A_252 : i32 to index
      %swap3A_254 = arith.constant 33 : index
      %swap3A_255 = tpu.vector_load %arg9[%swap3A_253, %swap3A_254] {strides = array<i32>} : memref<128x49xf32, #tpu.memory_space<vmem>>, vector<1x16xf32>,
      %swap3A_256 = vector.shape_cast %swap3A_255 : vector<1x16xf32> to vector<16xf32>
      %swap3A_257 = vector.shape_cast %add3A_250 : vector<16xf32> to vector<1x16xf32>
      tpu.vector_store %arg9[%swap3A_253, %swap3A_254], %swap3A_257 {strides = array<i32>} : memref<128x49xf32, #tpu.memory_space<vmem>>, vector<1x16xf32>,
      %scan3A_258 = arith.constant 0 : i32
      scf.yield %scan3A_258 : i32
    }
    %scan3A_123 = arith.constant 32 : i32
    "tpu.trace_stop"() : () -> ()
    "tpu.trace_start"() <{level = 10 : i32, message = "wait_q"}> : () -> ()
    %dma_wait3A_124 = arith.constant 0 : i32
    %dma_wait3A_125 = tpu.memref_slice %arg12[%dma_wait3A_124] : memref<100000xf32, #tpu.memory_space<vmem_shared>> -> memref<100000xf32, #tpu.memory_space<vmem_shared>>
    tpu.wait_indirect_dma semaphore(%arg57 : memref<!tpu.dma_semaphore, #tpu.memory_space<semaphore_mem>>) src(%dma_wait3A_125 : memref<100000xf32, #tpu.memory_space<vmem_shared>>) dst(%arg38 : memref<1568xf32, #tpu.memory_space<vmem>>)
    %dma_wait3A_126 = arith.constant 0 : i32
    %dma_wait3A_127 = tpu.memref_slice %arg13[%dma_wait3A_126] : memref<100000xf32, #tpu.memory_space<vmem_shared>> -> memref<100000xf32, #tpu.memory_space<vmem_shared>>
    tpu.wait_indirect_dma semaphore(%arg58 : memref<!tpu.dma_semaphore, #tpu.memory_space<semaphore_mem>>) src(%dma_wait3A_127 : memref<100000xf32, #tpu.memory_space<vmem_shared>>) dst(%arg39 : memref<1568xf32, #tpu.memory_space<vmem>>)
    %dma_wait3A_128 = arith.constant 0 : i32
    %dma_wait3A_129 = tpu.memref_slice %arg5[%dma_wait3A_128] : memref<4194304xf32, #tpu.memory_space<hbm>> -> memref<4194304xf32, #tpu.memory_space<hbm>>
    tpu.wait_indirect_dma semaphore(%arg59 : memref<!tpu.dma_semaphore, #tpu.memory_space<semaphore_mem>>) src(%dma_wait3A_129 : memref<4194304xf32, #tpu.memory_space<hbm>>) dst(%arg40 : memref<1568xf32, #tpu.memory_space<vmem>>)
    %dma_wait3A_130 = arith.constant 0 : i32
    %dma_wait3A_131 = tpu.memref_slice %arg6[%dma_wait3A_130] : memref<4194304xf32, #tpu.memory_space<hbm>> -> memref<4194304xf32, #tpu.memory_space<hbm>>
    tpu.wait_indirect_dma semaphore(%arg60 : memref<!tpu.dma_semaphore, #tpu.memory_space<semaphore_mem>>) src(%dma_wait3A_131 : memref<4194304xf32, #tpu.memory_space<hbm>>) dst(%arg41 : memref<1568xf32, #tpu.memory_space<vmem>>)
    "tpu.trace_stop"() : () -> ()
    "tpu.trace_start"() <{level = 10 : i32, message = "blend"}> : () -> ()
    %scan3A_132 = arith.constant 0 : i32
    %scan3A_133 = arith.constant 0 : i32
    %scan3A_134 = arith.constant 32 : i32
    %scan3A_135 = arith.addi %scan3A_133, %scan3A_134 : i32
    %scan3A_136 = arith.constant 1 : i32
    %scan3A_137 = scf.for %scan3A_139 = %scan3A_133 to %scan3A_135 step %scan3A_136 iter_args(%scan3A_140 = %scan3A_132) -> (i32)  : i32 {
      %mul3A_141 = arith.constant 49 : i32
      %mul3A_142 = arith.muli %scan3A_139, %mul3A_141 : i32
      %add3A_143 = arith.constant 0 : i32
      %add3A_144 = arith.addi %mul3A_142, %add3A_143 : i32
      %get3A = arith.index_cast %add3A_144 : i32 to index
      %get3A_145 = tpu.vector_load %arg41[%get3A] {strides = array<i32>} : memref<1568xf32, #tpu.memory_space<vmem>>, vector<16xf32>,
      %get3A_146 = vector.shape_cast %get3A_145 : vector<16xf32> to vector<16xf32>
      %get3A_147 = arith.index_cast %add3A_144 : i32 to index
      %get3A_148 = tpu.vector_load %arg40[%get3A_147] {strides = array<i32>} : memref<1568xf32, #tpu.memory_space<vmem>>, vector<16xf32>,
      %get3A_149 = vector.shape_cast %get3A_148 : vector<16xf32> to vector<16xf32>
      %mul3A_150 = arith.mulf %get3A_146, %get3A_149 : vector<16xf32>
      %sub3A = arith.constant 1.000000e+00 : f32
      %sub3A_151 = vector.broadcast %sub3A : f32 to vector<16xf32>
      %sub3A_152 = arith.subf %sub3A_151, %get3A_146 : vector<16xf32>
      %get3A_153 = arith.index_cast %add3A_144 : i32 to index
      %get3A_154 = tpu.vector_load %arg39[%get3A_153] {strides = array<i32>} : memref<1568xf32, #tpu.memory_space<vmem>>, vector<16xf32>,
      %get3A_155 = vector.shape_cast %get3A_154 : vector<16xf32> to vector<16xf32>
      %get3A_156 = arith.index_cast %add3A_144 : i32 to index
      %get3A_157 = tpu.vector_load %arg38[%get3A_156] {strides = array<i32>} : memref<1568xf32, #tpu.memory_space<vmem>>, vector<16xf32>,
      %get3A_158 = vector.shape_cast %get3A_157 : vector<16xf32> to vector<16xf32>
      %add3A_159 = arith.addf %get3A_155, %get3A_158 : vector<16xf32>
      %mul3A_160 = arith.mulf %sub3A_152, %add3A_159 : vector<16xf32>
      %add3A_161 = arith.addf %mul3A_150, %mul3A_160 : vector<16xf32>
      %add3A_162 = arith.constant 96 : i32
      %add3A_163 = arith.addi %add3A_162, %scan3A_139 : i32
      %swap3A = arith.index_cast %add3A_163 : i32 to index
      %swap3A_164 = arith.constant 0 : index
      %swap3A_165 = tpu.vector_load %arg9[%swap3A, %swap3A_164] {strides = array<i32>} : memref<128x49xf32, #tpu.memory_space<vmem>>, vector<1x16xf32>,
      %swap3A_166 = vector.shape_cast %swap3A_165 : vector<1x16xf32> to vector<16xf32>
      %swap3A_167 = vector.shape_cast %add3A_161 : vector<16xf32> to vector<1x16xf32>
      tpu.vector_store %arg9[%swap3A, %swap3A_164], %swap3A_167 {strides = array<i32>} : memref<128x49xf32, #tpu.memory_space<vmem>>, vector<1x16xf32>,
      %mul3A_168 = arith.constant 49 : i32
      %mul3A_169 = arith.muli %scan3A_139, %mul3A_168 : i32
      %add3A_170 = arith.constant 16 : i32
      %add3A_171 = arith.addi %mul3A_169, %add3A_170 : i32
      %get3A_172 = arith.index_cast %add3A_171 : i32 to index
      %get3A_173 = tpu.vector_load %arg41[%get3A_172] {strides = array<i32>} : memref<1568xf32, #tpu.memory_space<vmem>>, vector<16xf32>,
      %get3A_174 = vector.shape_cast %get3A_173 : vector<16xf32> to vector<16xf32>
      %get3A_175 = arith.index_cast %add3A_171 : i32 to index
      %get3A_176 = tpu.vector_load %arg40[%get3A_175] {strides = array<i32>} : memref<1568xf32, #tpu.memory_space<vmem>>, vector<16xf32>,
      %get3A_177 = vector.shape_cast %get3A_176 : vector<16xf32> to vector<16xf32>
      %mul3A_178 = arith.mulf %get3A_174, %get3A_177 : vector<16xf32>
      %sub3A_179 = arith.constant 1.000000e+00 : f32
      %sub3A_180 = vector.broadcast %sub3A_179 : f32 to vector<16xf32>
      %sub3A_181 = arith.subf %sub3A_180, %get3A_174 : vector<16xf32>
      %get3A_182 = arith.index_cast %add3A_171 : i32 to index
      %get3A_183 = tpu.vector_load %arg39[%get3A_182] {strides = array<i32>} : memref<1568xf32, #tpu.memory_space<vmem>>, vector<16xf32>,
      %get3A_184 = vector.shape_cast %get3A_183 : vector<16xf32> to vector<16xf32>
      %get3A_185 = arith.index_cast %add3A_171 : i32 to index
      %get3A_186 = tpu.vector_load %arg38[%get3A_185] {strides = array<i32>} : memref<1568xf32, #tpu.memory_space<vmem>>, vector<16xf32>,
      %get3A_187 = vector.shape_cast %get3A_186 : vector<16xf32> to vector<16xf32>
      %add3A_188 = arith.addf %get3A_184, %get3A_187 : vector<16xf32>
      %mul3A_189 = arith.mulf %sub3A_181, %add3A_188 : vector<16xf32>
      %add3A_190 = arith.addf %mul3A_178, %mul3A_189 : vector<16xf32>
      %add3A_191 = arith.constant 96 : i32
      %add3A_192 = arith.addi %add3A_191, %scan3A_139 : i32
      %swap3A_193 = arith.index_cast %add3A_192 : i32 to index
      %swap3A_194 = arith.constant 16 : index
      %swap3A_195 = tpu.vector_load %arg9[%swap3A_193, %swap3A_194] {strides = array<i32>} : memref<128x49xf32, #tpu.memory_space<vmem>>, vector<1x16xf32>,
      %swap3A_196 = vector.shape_cast %swap3A_195 : vector<1x16xf32> to vector<16xf32>
      %swap3A_197 = vector.shape_cast %add3A_190 : vector<16xf32> to vector<1x16xf32>
      tpu.vector_store %arg9[%swap3A_193, %swap3A_194], %swap3A_197 {strides = array<i32>} : memref<128x49xf32, #tpu.memory_space<vmem>>, vector<1x16xf32>,
      %mul3A_198 = arith.constant 49 : i32
      %mul3A_199 = arith.muli %scan3A_139, %mul3A_198 : i32
      %add3A_200 = arith.constant 32 : i32
      %add3A_201 = arith.addi %mul3A_199, %add3A_200 : i32
      %get3A_202 = arith.index_cast %add3A_201 : i32 to index
      %get3A_203 = tpu.vector_load %arg41[%get3A_202] {strides = array<i32>} : memref<1568xf32, #tpu.memory_space<vmem>>, vector<16xf32>,
      %get3A_204 = vector.shape_cast %get3A_203 : vector<16xf32> to vector<16xf32>
      %get3A_205 = arith.index_cast %add3A_201 : i32 to index
      %get3A_206 = tpu.vector_load %arg40[%get3A_205] {strides = array<i32>} : memref<1568xf32, #tpu.memory_space<vmem>>, vector<16xf32>,
      %get3A_207 = vector.shape_cast %get3A_206 : vector<16xf32> to vector<16xf32>
      %mul3A_208 = arith.mulf %get3A_204, %get3A_207 : vector<16xf32>
      %sub3A_209 = arith.constant 1.000000e+00 : f32
      %sub3A_210 = vector.broadcast %sub3A_209 : f32 to vector<16xf32>
      %sub3A_211 = arith.subf %sub3A_210, %get3A_204 : vector<16xf32>
      %get3A_212 = arith.index_cast %add3A_201 : i32 to index
      %get3A_213 = tpu.vector_load %arg39[%get3A_212] {strides = array<i32>} : memref<1568xf32, #tpu.memory_space<vmem>>, vector<16xf32>,
      %get3A_214 = vector.shape_cast %get3A_213 : vector<16xf32> to vector<16xf32>
      %get3A_215 = arith.index_cast %add3A_201 : i32 to index
      %get3A_216 = tpu.vector_load %arg38[%get3A_215] {strides = array<i32>} : memref<1568xf32, #tpu.memory_space<vmem>>, vector<16xf32>,
      %get3A_217 = vector.shape_cast %get3A_216 : vector<16xf32> to vector<16xf32>
      %add3A_218 = arith.addf %get3A_214, %get3A_217 : vector<16xf32>
      %mul3A_219 = arith.mulf %sub3A_211, %add3A_218 : vector<16xf32>
      %add3A_220 = arith.addf %mul3A_208, %mul3A_219 : vector<16xf32>
      %add3A_221 = arith.constant 96 : i32
      %add3A_222 = arith.addi %add3A_221, %scan3A_139 : i32
      %swap3A_223 = arith.index_cast %add3A_222 : i32 to index
      %swap3A_224 = arith.constant 32 : index
      %swap3A_225 = tpu.vector_load %arg9[%swap3A_223, %swap3A_224] {strides = array<i32>} : memref<128x49xf32, #tpu.memory_space<vmem>>, vector<1x16xf32>,
      %swap3A_226 = vector.shape_cast %swap3A_225 : vector<1x16xf32> to vector<16xf32>
      %swap3A_227 = vector.shape_cast %add3A_220 : vector<16xf32> to vector<1x16xf32>
      tpu.vector_store %arg9[%swap3A_223, %swap3A_224], %swap3A_227 {strides = array<i32>} : memref<128x49xf32, #tpu.memory_space<vmem>>, vector<1x16xf32>,
      %mul3A_228 = arith.constant 49 : i32
      %mul3A_229 = arith.muli %scan3A_139, %mul3A_228 : i32
      %add3A_230 = arith.constant 33 : i32
      %add3A_231 = arith.addi %mul3A_229, %add3A_230 : i32
      %get3A_232 = arith.index_cast %add3A_231 : i32 to index
      %get3A_233 = tpu.vector_load %arg41[%get3A_232] {strides = array<i32>} : memref<1568xf32, #tpu.memory_space<vmem>>, vector<16xf32>,
      %get3A_234 = vector.shape_cast %get3A_233 : vector<16xf32> to vector<16xf32>
      %get3A_235 = arith.index_cast %add3A_231 : i32 to index
      %get3A_236 = tpu.vector_load %arg40[%get3A_235] {strides = array<i32>} : memref<1568xf32, #tpu.memory_space<vmem>>, vector<16xf32>,
      %get3A_237 = vector.shape_cast %get3A_236 : vector<16xf32> to vector<16xf32>
      %mul3A_238 = arith.mulf %get3A_234, %get3A_237 : vector<16xf32>
      %sub3A_239 = arith.constant 1.000000e+00 : f32
      %sub3A_240 = vector.broadcast %sub3A_239 : f32 to vector<16xf32>
      %sub3A_241 = arith.subf %sub3A_240, %get3A_234 : vector<16xf32>
      %get3A_242 = arith.index_cast %add3A_231 : i32 to index
      %get3A_243 = tpu.vector_load %arg39[%get3A_242] {strides = array<i32>} : memref<1568xf32, #tpu.memory_space<vmem>>, vector<16xf32>,
      %get3A_244 = vector.shape_cast %get3A_243 : vector<16xf32> to vector<16xf32>
      %get3A_245 = arith.index_cast %add3A_231 : i32 to index
      %get3A_246 = tpu.vector_load %arg38[%get3A_245] {strides = array<i32>} : memref<1568xf32, #tpu.memory_space<vmem>>, vector<16xf32>,
      %get3A_247 = vector.shape_cast %get3A_246 : vector<16xf32> to vector<16xf32>
      %add3A_248 = arith.addf %get3A_244, %get3A_247 : vector<16xf32>
      %mul3A_249 = arith.mulf %sub3A_241, %add3A_248 : vector<16xf32>
      %add3A_250 = arith.addf %mul3A_238, %mul3A_249 : vector<16xf32>
      %add3A_251 = arith.constant 96 : i32
      %add3A_252 = arith.addi %add3A_251, %scan3A_139 : i32
      %swap3A_253 = arith.index_cast %add3A_252 : i32 to index
      %swap3A_254 = arith.constant 33 : index
      %swap3A_255 = tpu.vector_load %arg9[%swap3A_253, %swap3A_254] {strides = array<i32>} : memref<128x49xf32, #tpu.memory_space<vmem>>, vector<1x16xf32>,
      %swap3A_256 = vector.shape_cast %swap3A_255 : vector<1x16xf32> to vector<16xf32>
      %swap3A_257 = vector.shape_cast %add3A_250 : vector<16xf32> to vector<1x16xf32>
      tpu.vector_store %arg9[%swap3A_253, %swap3A_254], %swap3A_257 {strides = array<i32>} : memref<128x49xf32, #tpu.memory_space<vmem>>, vector<1x16xf32>,
      %scan3A_258 = arith.constant 0 : i32
      scf.yield %scan3A_258 : i32
    }
    %scan3A_138 = arith.constant 32 : i32
    "tpu.trace_stop"() : () -> ()
    "tpu.trace_start"() <{level = 10 : i32, message = "out"}> : () -> ()
    "tpu.region"() ({
      %run_scoped3A = tpu.sem_alloc : memref<!tpu.dma_semaphore, #tpu.memory_space<semaphore_mem>>
      %dma_start3A_139 = arith.constant 0 : i32
      %dma_start3A_140 = tpu.memref_slice %arg7[%mul3A_2, %dma_start3A_139] : memref<4096x49xf32, #tpu.memory_space<hbm>> -> memref<128x49xf32, #tpu.memory_space<hbm>>
      %dma_start3A_141 = arith.constant 0 : i32
      %dma_start3A_142 = tpu.memref_slice %arg7[%mul3A_2, %dma_start3A_141] : memref<4096x49xf32, #tpu.memory_space<hbm>> -> memref<128x49xf32, #tpu.memory_space<hbm>>
      tpu.enqueue_dma source(%arg9 : memref<128x49xf32, #tpu.memory_space<vmem>>) target(%dma_start3A_142 : memref<128x49xf32, #tpu.memory_space<hbm>>) target_semaphore(%run_scoped3A : memref<!tpu.dma_semaphore, #tpu.memory_space<semaphore_mem>>)
      %dma_wait3A_143 = arith.constant 0 : i32
      %dma_wait3A_144 = tpu.memref_slice %arg7[%mul3A_2, %dma_wait3A_143] : memref<4096x49xf32, #tpu.memory_space<hbm>> -> memref<128x49xf32, #tpu.memory_space<hbm>>
      %dma_wait3A_145 = arith.constant 0 : i32
      %dma_wait3A_146 = tpu.memref_slice %arg7[%mul3A_2, %dma_wait3A_145] : memref<4096x49xf32, #tpu.memory_space<hbm>> -> memref<128x49xf32, #tpu.memory_space<hbm>>
      tpu.wait_dma2 semaphore(%run_scoped3A : memref<!tpu.dma_semaphore, #tpu.memory_space<semaphore_mem>>) src(%arg9 : memref<128x49xf32, #tpu.memory_space<vmem>>) dst(%dma_wait3A_146 : memref<128x49xf32, #tpu.memory_space<hbm>>)
      tpu.yield
    }) : () -> ()
    "tpu.trace_stop"() : () -> ()
    return
  }
}

</mosaic_0001>

<sc_bundles>
// kernel: _lm.3.cloned.1.call-start
scs
__scs_entry_jumppad:
0x0: {  	(pc) =	sbr.rel $0x88, $3  }
0x1: {  	(tag) =	ssettag $0x0;
	lr =	simm.s32 $0x1  }
0x2: {  	[smem:$0x3F9C] =	sst lr;
	_ =	strace $0xD0000000  }
0x3: {  	_ = 	snop  }
0x4: {  	_ = 	snop  }
0x5: {  	_ = 	snop  }
0x6: {  	_ = 	snop  }
0x7: {  	_ = 	snop  }
__scs_overlays_trampoline_lowered:
0x8: {  	[smem:$0x3FAB] =	sst s0  }
0x9: {  	[smem:$0x3FAC] =	sst s1  }
0xa: {  	[smem:$0x3FAD] =	sst s2  }
0xb: {  	[smem:$0x3FAE] =	sst s3  }
0xc: {  	[smem:$0x3FAF] =	sst s4  }
0xd: {  	[smem:$0x3FB0] =	sst s5  }
0xe: {  	[smem:$0x3FB1] =	sst s6  }
0xf: {  	[smem:$0x3FB2] =	sst s7  }
0x10: {  	[smem:$0x3FB3] =	sst s8  }
0x11: {  	[smem:$0x3FB4] =	sst s9;
	s0 =	simm.s32 @!p0 $0x0  }
0x12: {  	s1 =	sld [smem:$0x3F9A];
	s0 =	simm.s32 @p0 $0x1  }
0x13: {  	[smem:$0x3FB5] =	sst s0;
	s0 =	simm.s32 @!p1 $0x0  }
0x14: {  	s2 =	sld [smem:$0x3F99];
	s0 =	simm.s32 @p1 $0x1  }
0x15: {  	[smem:$0x3FB6] =	sst s0;
	s0 =	simm.s32 @!p2 $0x0  }
0x16: {  	s3 =	sld [smem:$0x3FDB];
	s0 =	simm.s32 @p2 $0x1  }
0x17: {  	s4 =	simm.s32 $0x1BF5;
	[smem:$0x3FB8] =	sst s0  }
0x18: {  	s0 =	sld [smem:$0x3F9B];
	_ =	swait.ge [sflag:s4], $0x0  }
0x19: {  	s7 =	sld [smem:$0x3F9C]  }
0x1a: {  	s8 =	sadd.s32 $0xFFFFE003, lr  }
0x1b: {  	s9 =	sadd.s32 $0xFFFFFEF7, lr;
	s5 =	simm.s32 $0xFFFFFFFF;
	p2 =	slt.u32 s8, $0xFFFFF086  }
0x1c: {  	p1 =	slt.u32 s9, $0xF7A;
	s5 =	simm.s32 @!p2 $0x0  }
0x1d: {  	s5 =	simm.s32 @p1 $0x1;
	p0 =	seq.s32 s7, s2  }
0x1e: {  	s7 =	smul.u32 @!p0 $0xF7A, s2;
	p2 =	seq.s32 @!p0 s5, $0x0  }
0x1f: {  	s9 =	smul.u32 $0xF7A, s1;
	s8 =	simm.s32 @!p0 $0x1BF5;
	p2 =	por !p2, p0  }
0x20: {  	[sflag:s8] =	ssyncset.s32 @!p0 $0xFFFFF086;
	s6 =	sadd.s32 @!p0 s3, s7;
	s7 =	simm.s32 @!p0 $0x108  }
0x21: {  	s3 =	sadd.s32 s3, s9;
	s6 =	sadd.s32 @!p0 $0x88, s6;
	s7 =	simm.s32 @p2 $0x1082  }
0x22: {  	[simem:s7], [sflag:s8] =	dma.local @!p0 [hbm:s6], $0xF7A  }
0x23: {  	s9 =	sor.u32 $0xD0000000, s2;
	s6 =	simm.s32 $0x108;
	_ =	swait.ge @!p0 [sflag:s8], $0x0  }
0x24: {  	s3 =	sadd.s32 $0x88, s3;
	s6 =	simm.s32 @!p1 $0x1082;
	[sflag:s4] =	ssyncset.s32 $0xFFFFF086  }
0x25: {  	[simem:s6], [sflag:s4] =	dma.local [hbm:s3], $0xF7A  }
0x26: {  	[smem:$0x3F9C] =	sst s1;
	(tag) =	ssettag s2;
	_ =	strace s9  }
0x27: {  	s1 =	sld [smem:$0x3FAC]  }
0x28: {  	s2 =	sld [smem:$0x3FAD]  }
0x29: {  	s4 =	sld [smem:$0x3FAF]  }
0x2a: {  	p0 =	seq.s32 s5, $0x0;
	s5 =	sld [smem:$0x3FB0]  }
0x2b: {  	s6 =	sld [smem:$0x3FB1]  }
0x2c: {  	s7 =	sld [smem:$0x3FB2]  }
0x2d: {  	s3 =	simm.s32 $0x108;
	s8 =	sld [smem:$0x3FB3]  }
0x2e: {  	s3 =	simm.s32 @!p0 $0x1082;
	s9 =	sld [smem:$0x3FB4]  }
0x2f: {  	lr =	sadd.s32 s0, s3;
	s0 =	sld [smem:$0x3FAB]  }
0x30: {  	s3 =	sld [smem:$0x3FAE]  }
0x31: {  	[smem:$0x3FB7] =	sst s10  }
0x32: {  	s10 =	sld [smem:$0x3FB5];
	_ =	sdelay $0x3  }
0x33: {  	p0 =	seq.s32 s10, $0x1;
	s10 =	sld [smem:$0x3FB7];
	_ =	sdelay $0x3  }
0x34: {  	[smem:$0x3FB7] =	sst s10  }
0x35: {  	s10 =	sld [smem:$0x3FB6];
	_ =	sdelay $0x3  }
0x36: {  	p1 =	seq.s32 s10, $0x1;
	s10 =	sld [smem:$0x3FB7];
	_ =	sdelay $0x3  }
0x37: {  	[smem:$0x3FB7] =	sst s10  }
0x38: {  	s10 =	sld [smem:$0x3FB8]  }
0x39: {  	_ = 	snop;
	(pc) =	sbr.ind lr, $3  }
0x3a: {  	_ = 	snop  }
0x3b: {  	_ = 	snop  }
0x3c: {  	p2 =	seq.s32 s10, $0x1;
	s10 =	sld [smem:$0x3FB7]  }
0x3d: {  	_ =	shalt  }
0x3e: {  	_ =	shalt  }
0x3f: {  	_ =	shalt  }
0x40: {  	_ =	shalt  }
0x41: {  	_ =	shalt  }
0x42: {  	_ =	shalt  }
0x43: {  	_ =	shalt  }
0x44: {  	_ =	shalt  }
0x45: {  	_ =	shalt  }
0x46: {  	_ =	shalt  }
0x47: {  	_ =	shalt  }
0x48: {  	_ =	shalt  }
0x49: {  	_ =	shalt  }
0x4a: {  	_ =	shalt  }
0x4b: {  	_ =	shalt  }
0x4c: {  	_ =	shalt  }
0x4d: {  	_ =	shalt  }
0x4e: {  	_ =	shalt  }
0x4f: {  	_ =	shalt  }
0x50: {  	_ =	shalt  }
0x51: {  	_ =	shalt  }
0x52: {  	_ =	shalt  }
0x53: {  	_ =	shalt  }
0x54: {  	_ =	shalt  }
0x55: {  	_ =	shalt  }
0x56: {  	_ =	shalt  }
0x57: {  	_ =	shalt  }
0x58: {  	_ =	shalt  }
0x59: {  	_ =	shalt  }
0x5a: {  	_ =	shalt  }
0x5b: {  	_ =	shalt  }
0x5c: {  	_ =	shalt  }
0x5d: {  	_ =	shalt  }
0x5e: {  	_ =	shalt  }
0x5f: {  	_ =	shalt  }
0x60: {  	_ =	shalt  }
0x61: {  	_ =	shalt  }
0x62: {  	_ =	shalt  }
0x63: {  	_ =	shalt  }
0x64: {  	_ =	shalt  }
0x65: {  	_ =	shalt  }
0x66: {  	_ =	shalt  }
0x67: {  	_ =	shalt  }
0x68: {  	_ =	shalt  }
0x69: {  	_ =	shalt  }
0x6a: {  	_ =	shalt  }
0x6b: {  	_ =	shalt  }
0x6c: {  	_ =	shalt  }
0x6d: {  	_ =	shalt  }
0x6e: {  	_ =	shalt  }
0x6f: {  	_ =	shalt  }
0x70: {  	_ =	shalt  }
0x71: {  	_ =	shalt  }
0x72: {  	_ =	shalt  }
0x73: {  	_ =	shalt  }
0x74: {  	_ =	shalt  }
0x75: {  	_ =	shalt  }
0x76: {  	_ =	shalt  }
0x77: {  	_ =	shalt  }
0x78: {  	_ =	shalt  }
0x79: {  	_ =	shalt  }
0x7a: {  	_ =	shalt  }
0x7b: {  	_ =	shalt  }
0x7c: {  	_ =	shalt  }
0x7d: {  	_ =	shalt  }
0x7e: {  	_ =	shalt  }
0x7f: {  	_ =	shalt  }
0x80: {  	_ =	shalt  }
0x81: {  	_ =	shalt  }
0x82: {  	_ =	shalt  }
0x83: {  	_ =	shalt  }
0x84: {  	_ =	shalt  }
0x85: {  	_ =	shalt  }
0x86: {  	_ =	shalt  }
0x87: {  	_ =	shalt  }
.Lfunc_end0:
.L_simem_size_0:
called_computation_lowered:
.L_overlay_start_0:
0x88: {  	s2 =	sld [smem:$0x3FD9]  }
0x89: {  	s3 =	sld [smem:$0x3FFE];
	_ =	sdelay $0x1  }
0x8a: {  	s1 =	srdreg.scid  }
0x8b: {  	s0 =	sand.u32 $0x1, s1  }
0x8c: {  	s17 =	sshll.u32 s0, $0xA;
	s2 =	sadd.s32 s3, s2  }
0x8d: {  	s2 =	sadd.s32 s2, s17  }
0x8e: {  	[smem:$0x3FC3] =	sst s2  }
0x8f: {  	_ = 	snop  }
0x90: {  	s2 =	sld [smem:$0x3FC8]  }
0x91: {  	s18 =	sld [smem:$0x3FC7]  }
0x92: {  	s4 =	sld [smem:$0x3FC6]  }
0x93: {  	s5 =	sld [smem:$0x3FC5];
	(tm) =	ssettm $0x1  }
0x94: {  	s6 =	sld [smem:$0x3FFB];
	_ =	sdelay $0x3  }
0x95: {  	_ =	strace s6  }
0x96: {  	s6 =	sld [smem:$0x3FFC];
	_ =	sdelay $0x3  }
0x97: {  	_ =	strace s6  }
0x98: {  	s6 =	sld [smem:$0x3FFD];
	_ =	sdelay $0x3  }
0x99: {  	_ =	strace s6  }
0x9a: {  	_ =	strace $0x8FFFFFFF  }
0x9b: {  	s19 =	sld [smem:$0x3FDB];
	_ =	sdelay $0x1  }
0x9c: {  	s7 =	simm.s32 $_scs_section_size  }
0x9d: {  	s8 =	simm.s32 $_size__tile_overlayer_lowered;
	s9 =	simm.s32 $_tile_overlayer_lowered  }
0x9e: {  	s22 =	simm.s32 $0x1BFF;
	s21 =	sshll.u32 s9, $0x1;
	s6 =	sadd.s32 s7, s19  }
0x9f: {  	s10 =	simm.s32 $0x0;
	s20 =	sshll.u32 s8, $0x1;
	s8 =	sadd.s32 s21, s6  }
0xa0: {  	[timem:s10], [sflag:s22] =	dma.local [hbm:s8], s20  }
0xa1: {  	_ =	swait.ge [sflag:s22], s20  }
0xa2: {  	s7 =	ssub.s32 $0x0, s20;
	[sflag:s22] =	ssyncset.done $0x0  }
0xa3: {  	[sflag:s22] =	ssyncadd.s32 s7;
	_ =	sdelay $0x1  }
0xa4: {  	s23 =	simm.s32 $0x1B8B  }
0xa5: {  	_ =	swait.ge [sflag:s23], $0x1  }
0xa6: {  	[sflag:s23] =	ssyncset.done $0x0  }
0xa7: {  	s25 =	simm.s32 $0x1B8E;
	s24 =	sld [smem:$0x3FFE];
	[sflag:s23] =	ssyncadd.s32 $0xFFFFFFFF  }
0xa8: {  	s26 =	simm.s32 $execute0_lowered;
	[smem:$0x3FD2] =	sst s25  }
0xa9: {  	s8 =	sshll.u32 s26, $0x1;
	_ =	strace $0x80000046;
	[dreg:$0x1] =	wrdreg $0xFFFFFFFF  }
0xaa: {  	s28 =	simm.s32 $_size_execute0_lowered;
	s6 =	sadd.s32 s6, s8;
	[dreg:$0x0] =	wrdreg $0x0  }
0xab: {  	s8 =	sshll.u32 s28, $0x1;
	[dreg:$0x2] =	wrdreg s6  }
0xac: {  	[dreg:$0x3] =	wrdreg s8  }
0xad: {  	[dreg:$0x4] =	wrdreg $0xC0  }
0xae: {  	_ =	task [dreg:s10], $0x5FFFF  }
0xaf: {  	[dreg:$0x1] =	wrdreg $0xFFFFFFFF  }
0xb0: {  	[dreg:$0x0] =	wrdreg $0x60  }
0xb1: {  	[dreg:$0x2] =	wrdreg s24  }
0xb2: {  	[dreg:$0x3] =	wrdreg s2  }
0xb3: {  	[dreg:$0x4] =	wrdreg s18  }
0xb4: {  	[dreg:$0x5] =	wrdreg s4  }
0xb5: {  	[dreg:$0x6] =	wrdreg s5  }
0xb6: {  	[dreg:$0x7] =	wrdreg $0xB1000  }
0xb7: {  	[dreg:$0x8] =	wrdreg $0xC9700  }
0xb8: {  	[dreg:$0x9] =	wrdreg $0x9  }
0xb9: {  	_ =	task.clear_ibuf [dreg:s10], $0xAFFFF;
	_ =	strace $0x90000046  }
0xba: {  	s29 =	simm.s32 $0x9;
	_ =	strace $0x80000057  }
0xbb: {  	_ =	swait.ge [sflag:s29], $0x1  }
0xbc: {  	[sflag:s29] =	ssyncadd.s32 $0xFFFFFFFF  }
0xbd: {  	_ =	strace $0x90000057  }
0xbe: {  	_ =	sfence  }
0xbf: {  	s30 =	sld [smem:$0x0];
	_ =	sdelay $0x2  }
0xc0: {  	s31 =	sshll.u32 s1, $0xD;
	s1 =	sshrl.u32 s1, $0x2  }
0xc1: {  	s3 =	sand.u32 $0x4000, s31;
	s1 =	sadd.s32 s1, s30  }
0xc2: {  	s0 =	sor.u32 s3, s0;
	s1 =	sshll.u32 s1, $0x11  }
0xc3: {  	s0 =	sor.u32 s1, s0  }
0xc4: {  	s0 =	sadd.s32 $0x8F2B, s0  }
0xc5: {  	[sflag:s0] =	ssyncadd.remote.s32 $0x1  }
0xc6: {  	_ =	sfence.sel $0xFFFF  }
0xc7: {  	[dreg:$0x0] =	wrdreg $0xFFFFFFFF;
	(pc) =	sbr.abs _section_cstart, $3  }
0xc8: {  	[dreg:$0x1] =	wrdreg $0xFFFFFFFF  }
0xc9: {  	_ =	task.clear_ibuf [dreg:s10], $0x2FFFF;
	_ =	strace $0x9FFFFFFF  }
0xca: {  	(tm) =	ssettm $0x7FFFFFFF  }
0xcb: {  	_ =	shalt  }
tec
execute0_lowered:
.L_overlay_start_1:
0x0: {  	(tag) =	ssettag $0x1  }
0x1: {  	s0 =	rddreg [dreg:$0x0]  }
0x2: {  	s5 =	rddreg [dreg:$0x1]  }
0x3: {  	s7 =	rddreg [dreg:$0x2]  }
0x4: {  	s1 =	rddreg [dreg:$0x3]  }
0x5: {  	s2 =	rddreg [dreg:$0x4]  }
0x6: {  	s3 =	rddreg [dreg:$0x5]  }
0x7: {  	s4 =	rddreg [dreg:$0x6];
	s6 =	simm.s32 $0x0  }
0x8: {  	s8 =	srdreg.scid;
	s10 =	stileid.u32;
	s16 =	simm.s32 $0x1  }
0x9: {  	s17 =	simm.s32 $0x620;
	s31 =	simm.s32 $0x4;
	s19 =	simm.s32 $0x6  }
0xa: {  	s28 =	simm.s32 $0xA;
	s30 =	simm.s32 $0xB;
	s14 =	simm.s32 $0xC  }
0xb: {  	s15 =	simm.s32 $0xD;
	s18 =	simm.s32 $0xE;
	s29 =	simm.s32 $0x11  }
0xc: {  	[smem:$0x7FF] =	sst s6;
	s8 =	sand.u32 $0x1, s8;
	s9 =	smul.u32 $0x1870, s10  }
0xd: {  	s10 =	sshll.u32 s10, $0xC;
	s11 =	sshll.u32 s8, $0xB;
	s8 =	ssub.s32 $0x2, s8  }
0xe: {  	_ =	strace $0x80000047;
	s10 =	sor.u32 s11, s10;
	s20 =	sshrl.u32 s8, $0x1  }
0xf: {  	s9 =	smin.u32 s9, $0x16E30;
	s11 =	simm.s32 $0x0;
	s0 =	sadd.s32 s10, s0  }
0x10: {  	s8 =	ssub.s32 s8, s20;
	s21 =	sshrl.u32 s9, $0x3;
	s24 =	sadd.s32 s9, s3  }
0x11: {  	s25 =	sadd.s32 s9, s4;
	s20 =	simm.s32 $0x7;
	[dreg:$0xb] =	wrdreg s24  }
0x12: {  	s9 =	simm.s32 $0x12;
	s5 =	sadd.s32 s5, s21;
	[dreg:$0xc] =	wrdreg s25  }
0x13: {  	s10 =	simm.s32 $0x13;
	s22 =	sadd.s32 s7, s21;
	[dreg:$0x8] =	wrdreg s5  }
0x14: {  	s23 =	sadd.s32 $0x400, s0;
	s0 =	sadd.s32 $0x10400, s0;
	[dreg:$0x9] =	wrdreg s22  }
0x15: {  	s26 =	smax.u32 s8, $0x1;
	s21 =	simm.s32 $0x2;
	[dreg:$0xa] =	wrdreg s23  }
0x16: {  	s25 =	simm.s32 $0x8;
	s7 =	simm.s32 $0xF;
	[dreg:$0xd] =	wrdreg s0  }
0x17: {  	s8 =	simm.s32 $0x10;
	[dreg:$0xe] =	wrdreg s26;
	s22 =	simm.s32 $0x14  }
0x18: {  	s23 =	simm.s32 $0x3;
	s0 =	simm.s32 $0x5;
	s26 =	simm.s32 $0x9  }
.LBB2_1:
0x19: {  	s5 =	rddreg [dreg:$0x8];
	s12 =	simm.s32 $0x8000  }
0x1a: {  	[tilespmem:s12], [sflag:$0x2] =	stream.linear.gather [hbm4b:s5+s6], $0x1870, $0x38;
	[tilespmem:$0x197E0] =	vst v63  }
0x1b: {  	s13 =	simm.s32 $0x9880;
	s12 =	rddreg [dreg:$0x9]  }
0x1c: {  	[tilespmem:s13], [sflag:$0x3] =	stream.linear.gather [hbm4b:s12+s6], $0x1870, $0x38;
	[tilespmem:$0x197E0] =	vst v63  }
0x1d: {  	s24 =	rddreg [dreg:$0xa]  }
0x1e: {  	[tilespmem:s6], [sflag:$0x1] =	stream.linear.gather [hbm4b:s24+s6], $0x4000, $0x38;
	[tilespmem:$0x197E0] =	vst v63  }
0x1f: {  	_ =	strace $0x80000048  }
0x20: {  	_ =	swait.ge [sflag:s16], $0x4000  }
0x21: {  	[sflag:s16] =	ssyncset.done $0x0  }
0x22: {  	[sflag:s16] =	ssyncadd.s32 $0xFFFFC000  }
0x23: {  	_ =	strace $0x90000048  }
0x24: {  	s12 =	simm.s32 $0x22;
	_ =	strace $0x80000049  }
0x25: {  	v0 =	vld [tilespmem:s12+$0xFFFFFFDE];
	_ =	sdelay $0x1  }
0x26: {  	v1 =	vld [tilespmem:s12+$0xFFFFFFDF];
	_ =	sdelay $0x2  }
0x27: {  	v2 =	vmul.u32 $0xF4243, v0  }
0x28: {  	s13 =	simm.s32 $0x0  }
0x29: {  	[tilespmem:s13+$0xE1E0] =	vst v0;
	v0 =	vadd.s32 v1, v2  }
0x2a: {  	[tilespmem:s13+$0xE860] =	vst v1;
	v0 =	vand.u32 $0x3FFFFF, v0  }
0x2b: {  	[tilespmem:s13+$0xEEE0] =	vst v0  }
0x2c: {  	v0 =	vld [tilespmem:s12+$0xFFFFFFEE];
	_ =	sdelay $0x1  }
0x2d: {  	v1 =	vld [tilespmem:s12+$0xFFFFFFEF];
	_ =	sdelay $0x2  }
0x2e: {  	v2 =	vmul.u32 $0xF4243, v0;
	_ =	sdelay $0x1  }
0x2f: {  	[tilespmem:s13+$0xE1F0] =	vst v0;
	v0 =	vadd.s32 v1, v2  }
0x30: {  	[tilespmem:s13+$0xE870] =	vst v1;
	v0 =	vand.u32 $0x3FFFFF, v0  }
0x31: {  	[tilespmem:s13+$0xEEF0] =	vst v0  }
0x32: {  	v0 =	vld [tilespmem:s12+$0xFFFFFFFE];
	_ =	sdelay $0x1  }
0x33: {  	v1 =	vld [tilespmem:s12+$0xFFFFFFFF];
	_ =	sdelay $0x2  }
0x34: {  	v2 =	vmul.u32 $0xF4243, v0;
	_ =	sdelay $0x1  }
0x35: {  	[tilespmem:s13+$0xE200] =	vst v0;
	v0 =	vadd.s32 v1, v2  }
0x36: {  	[tilespmem:s13+$0xE880] =	vst v1;
	v0 =	vand.u32 $0x3FFFFF, v0  }
0x37: {  	[tilespmem:s13+$0xEF00] =	vst v0  }
0x38: {  	v0 =	vld [tilespmem:s12+$0xFFFFFFFF];
	_ =	sdelay $0x1  }
0x39: {  	v1 =	vld [tilespmem:s12+$0x0];
	_ =	sdelay $0x2  }
0x3a: {  	v2 =	vmul.u32 $0xF4243, v0;
	_ =	sdelay $0x1  }
0x3b: {  	[tilespmem:s13+$0xE201] =	vst v0;
	v0 =	vadd.s32 v1, v2  }
0x3c: {  	s24 =	simm.s32 $0xC4;
	[tilespmem:s13+$0xE881] =	vst v1;
	v0 =	vand.u32 $0x3FFFFF, v0  }
.LBB2_2:
0x3d: {  	p0 =	sne.s32 s24, $0x17BC  }
0x3e: {  	[tilespmem:s13+$0xEF01] =	vst v0;
	s12 =	sadd.s32 $0x80, s12;
	s5 =	smov.u32 s24;
	s24 =	sadd.s32 $0xC4, s24  }
0x3f: {  	v0 =	vld [tilespmem:s12+$0xFFFFFFDE];
	_ =	sdelay $0x1  }
0x40: {  	v1 =	vld [tilespmem:s12+$0xFFFFFFDF];
	_ =	sdelay $0x2  }
0x41: {  	v2 =	vmul.u32 $0xF4243, v0  }
0x42: {  	s13 =	sshra.s32 s5, $0x2  }
0x43: {  	[tilespmem:s13+$0xE1E0] =	vst v0;
	v0 =	vadd.s32 v1, v2  }
0x44: {  	[tilespmem:s13+$0xE860] =	vst v1;
	v0 =	vand.u32 $0x3FFFFF, v0  }
0x45: {  	[tilespmem:s13+$0xEEE0] =	vst v0  }
0x46: {  	v0 =	vld [tilespmem:s12+$0xFFFFFFEE];
	_ =	sdelay $0x1  }
0x47: {  	v1 =	vld [tilespmem:s12+$0xFFFFFFEF];
	_ =	sdelay $0x2  }
0x48: {  	[tilespmem:s13+$0xE1F0] =	vst v0;
	v0 =	vmul.u32 $0xF4243, v0;
	_ =	sdelay $0x1  }
0x49: {  	[tilespmem:s13+$0xE870] =	vst v1;
	v0 =	vadd.s32 v1, v0  }
0x4a: {  	v0 =	vand.u32 $0x3FFFFF, v0  }
0x4b: {  	[tilespmem:s13+$0xEEF0] =	vst v0  }
0x4c: {  	v0 =	vld [tilespmem:s12+$0xFFFFFFFE];
	_ =	sdelay $0x1  }
0x4d: {  	v1 =	vld [tilespmem:s12+$0xFFFFFFFF];
	_ =	sdelay $0x2  }
0x4e: {  	[tilespmem:s13+$0xE200] =	vst v0;
	v0 =	vmul.u32 $0xF4243, v0;
	_ =	sdelay $0x1  }
0x4f: {  	[tilespmem:s13+$0xE880] =	vst v1;
	v0 =	vadd.s32 v1, v0  }
0x50: {  	v0 =	vand.u32 $0x3FFFFF, v0  }
0x51: {  	[tilespmem:s13+$0xEF00] =	vst v0  }
0x52: {  	v0 =	vld [tilespmem:s12+$0xFFFFFFFF]  }
0x53: {  	v1 =	vld [tilespmem:s12+$0x0];
	_ =	sdelay $0x2  }
.Ltmp0:
0x54: {  	(pc) =	sbr.rel @p0 .LBB2_2-.Ltmp0, $4  }
0x55: {  	[tilespmem:s13+$0xE201] =	vst v0;
	v0 =	vmul.u32 $0xF4243, v0  }
0x56: {  	[tilespmem:s13+$0xE881] =	vst v1  }
0x57: {  	v0 =	vadd.s32 v1, v0  }
0x58: {  	v0 =	vand.u32 $0x3FFFFF, v0  }
0x59: {  	[tilespmem:s13+$0xEF01] =	vst v0  }
0x5a: {  	s5 =	simm.s32 $0xEEE0;
	s12 =	simm.s32 $0x10260;
	_ =	strace $0x90000049  }
0x5b: {  	[tilespmem:s12], [sflag:$0x6] =	stream.indirect.gather [hbm4b:s1+s17], $0x1, s5, s17, $0xb8;
	[tilespmem:$0x197E0] =	vst v63  }
0x5c: {  	s24 =	simm.s32 $0x108E0  }
0x5d: {  	[tilespmem:s24], [sflag:$0x7] =	stream.indirect.gather [hbm4b:s2+s17], $0x1, s5, s17, $0xb8;
	[tilespmem:$0x197E0] =	vst v63  }
0x5e: {  	_ =	strace $0x8000004A  }
0x5f: {  	_ =	swait.ge [sflag:s21], $0x1870  }
0x60: {  	[sflag:s21] =	ssyncset.done $0x0  }
0x61: {  	s24 =	simm.s32 $0x8000;
	s13 =	rddreg [dreg:$0xb];
	[sflag:s21] =	ssyncadd.s32 $0xFFFFE790  }
0x62: {  	[spmem:s13] =	stream.linear.scatter [tilespmem:s24], [sflag:$0x14], $0x1870, $0x200038;
	[tilespmem:$0x197E0] =	vst v63  }
0x63: {  	_ =	swait.ge [sflag:s22], $0x1870  }
0x64: {  	[sflag:s22] =	ssyncset.done $0x0  }
0x65: {  	[sflag:s22] =	ssyncadd.s32 $0xFFFFE790  }
0x66: {  	_ =	swait.ge [sflag:s23], $0x1870  }
0x67: {  	[sflag:s23] =	ssyncset.done $0x0  }
0x68: {  	s24 =	simm.s32 $0x9880;
	s13 =	rddreg [dreg:$0xc];
	[sflag:s23] =	ssyncadd.s32 $0xFFFFE790  }
0x69: {  	[spmem:s13] =	stream.linear.scatter [tilespmem:s24], [sflag:$0x14], $0x1870, $0x200038;
	[tilespmem:$0x197E0] =	vst v63  }
0x6a: {  	_ =	swait.ge [sflag:s22], $0x1870  }
0x6b: {  	[sflag:s22] =	ssyncset.done $0x0  }
0x6c: {  	[sflag:s22] =	ssyncadd.s32 $0xFFFFE790  }
0x6d: {  	_ =	strace $0x9000004A  }
0x6e: {  	s13 =	simm.s32 $0xE860;
	s24 =	simm.s32 $0xF560;
	[bflag:$0x0] =	sbarrier.arrive $0xFFFF  }
0x6f: {  	[tilespmem:s24], [sflag:$0x4] =	stream.indirect.gather [spmem:s3], $0x1, s13, s17, $0xb8;
	[tilespmem:$0x197E0] =	vst v63  }
0x70: {  	s13 =	simm.s32 $0xE1E0;
	s24 =	simm.s32 $0xFBE0  }
0x71: {  	[tilespmem:s24], [sflag:$0x5] =	stream.indirect.gather [spmem:s4], $0x1, s13, s17, $0xb8;
	[tilespmem:$0x197E0] =	vst v63  }
0x72: {  	s12 =	simm.s32 $0x1022;
	_ =	strace $0x8000004B  }
0x73: {  	v0 =	vld [tilespmem:s12+$0xFFFFFFDE];
	_ =	sdelay $0x1  }
0x74: {  	v1 =	vld [tilespmem:s12+$0xFFFFFFDF];
	_ =	sdelay $0x2  }
0x75: {  	v2 =	vmul.u32 $0xF4243, v0  }
0x76: {  	s13 =	simm.s32 $0x0  }
0x77: {  	[tilespmem:s13+$0x10F60] =	vst v0;
	v0 =	vadd.s32 v1, v2  }
0x78: {  	[tilespmem:s13+$0x115E0] =	vst v1;
	v0 =	vand.u32 $0x3FFFFF, v0  }
0x79: {  	[tilespmem:s13+$0x11C60] =	vst v0  }
0x7a: {  	v0 =	vld [tilespmem:s12+$0xFFFFFFEE];
	_ =	sdelay $0x1  }
0x7b: {  	v1 =	vld [tilespmem:s12+$0xFFFFFFEF];
	_ =	sdelay $0x2  }
0x7c: {  	v2 =	vmul.u32 $0xF4243, v0;
	_ =	sdelay $0x1  }
0x7d: {  	[tilespmem:s13+$0x10F70] =	vst v0;
	v0 =	vadd.s32 v1, v2  }
0x7e: {  	[tilespmem:s13+$0x115F0] =	vst v1;
	v0 =	vand.u32 $0x3FFFFF, v0  }
0x7f: {  	[tilespmem:s13+$0x11C70] =	vst v0  }
0x80: {  	v0 =	vld [tilespmem:s12+$0xFFFFFFFE];
	_ =	sdelay $0x1  }
0x81: {  	v1 =	vld [tilespmem:s12+$0xFFFFFFFF];
	_ =	sdelay $0x2  }
0x82: {  	v2 =	vmul.u32 $0xF4243, v0;
	_ =	sdelay $0x1  }
0x83: {  	[tilespmem:s13+$0x10F80] =	vst v0;
	v0 =	vadd.s32 v1, v2  }
0x84: {  	[tilespmem:s13+$0x11600] =	vst v1;
	v0 =	vand.u32 $0x3FFFFF, v0  }
0x85: {  	[tilespmem:s13+$0x11C80] =	vst v0  }
0x86: {  	v0 =	vld [tilespmem:s12+$0xFFFFFFFF];
	_ =	sdelay $0x1  }
0x87: {  	v1 =	vld [tilespmem:s12+$0x0];
	_ =	sdelay $0x2  }
0x88: {  	v2 =	vmul.u32 $0xF4243, v0;
	_ =	sdelay $0x1  }
0x89: {  	[tilespmem:s13+$0x10F81] =	vst v0;
	v0 =	vadd.s32 v1, v2  }
0x8a: {  	s24 =	simm.s32 $0xC4;
	[tilespmem:s13+$0x11601] =	vst v1;
	v0 =	vand.u32 $0x3FFFFF, v0  }
.LBB2_4:
0x8b: {  	p0 =	sne.s32 s24, $0x17BC  }
0x8c: {  	[tilespmem:s13+$0x11C81] =	vst v0;
	s12 =	sadd.s32 $0x80, s12;
	s5 =	smov.u32 s24;
	s24 =	sadd.s32 $0xC4, s24  }
0x8d: {  	v0 =	vld [tilespmem:s12+$0xFFFFFFDE];
	_ =	sdelay $0x1  }
0x8e: {  	v1 =	vld [tilespmem:s12+$0xFFFFFFDF];
	_ =	sdelay $0x2  }
0x8f: {  	v2 =	vmul.u32 $0xF4243, v0  }
0x90: {  	s13 =	sshra.s32 s5, $0x2  }
0x91: {  	[tilespmem:s13+$0x10F60] =	vst v0;
	v0 =	vadd.s32 v1, v2  }
0x92: {  	[tilespmem:s13+$0x115E0] =	vst v1;
	v0 =	vand.u32 $0x3FFFFF, v0  }
0x93: {  	[tilespmem:s13+$0x11C60] =	vst v0  }
0x94: {  	v0 =	vld [tilespmem:s12+$0xFFFFFFEE];
	_ =	sdelay $0x1  }
0x95: {  	v1 =	vld [tilespmem:s12+$0xFFFFFFEF];
	_ =	sdelay $0x2  }
0x96: {  	[tilespmem:s13+$0x10F70] =	vst v0;
	v0 =	vmul.u32 $0xF4243, v0;
	_ =	sdelay $0x1  }
0x97: {  	[tilespmem:s13+$0x115F0] =	vst v1;
	v0 =	vadd.s32 v1, v0  }
0x98: {  	v0 =	vand.u32 $0x3FFFFF, v0  }
0x99: {  	[tilespmem:s13+$0x11C70] =	vst v0  }
0x9a: {  	v0 =	vld [tilespmem:s12+$0xFFFFFFFE];
	_ =	sdelay $0x1  }
0x9b: {  	v1 =	vld [tilespmem:s12+$0xFFFFFFFF];
	_ =	sdelay $0x2  }
0x9c: {  	[tilespmem:s13+$0x10F80] =	vst v0;
	v0 =	vmul.u32 $0xF4243, v0;
	_ =	sdelay $0x1  }
0x9d: {  	[tilespmem:s13+$0x11600] =	vst v1;
	v0 =	vadd.s32 v1, v0  }
0x9e: {  	v0 =	vand.u32 $0x3FFFFF, v0  }
0x9f: {  	[tilespmem:s13+$0x11C80] =	vst v0  }
0xa0: {  	v0 =	vld [tilespmem:s12+$0xFFFFFFFF]  }
0xa1: {  	v1 =	vld [tilespmem:s12+$0x0];
	_ =	sdelay $0x2  }
.Ltmp1:
0xa2: {  	(pc) =	sbr.rel @p0 .LBB2_4-.Ltmp1, $4  }
0xa3: {  	[tilespmem:s13+$0x10F81] =	vst v0;
	v0 =	vmul.u32 $0xF4243, v0  }
0xa4: {  	[tilespmem:s13+$0x11601] =	vst v1  }
0xa5: {  	v0 =	vadd.s32 v1, v0  }
0xa6: {  	v0 =	vand.u32 $0x3FFFFF, v0  }
0xa7: {  	[tilespmem:s13+$0x11C81] =	vst v0  }
0xa8: {  	s5 =	simm.s32 $0x11C60;
	s12 =	simm.s32 $0x12FE0;
	_ =	strace $0x9000004B  }
0xa9: {  	[tilespmem:s12], [sflag:$0xA] =	stream.indirect.gather [hbm4b:s1+s17], $0x1, s5, s17, $0xb8;
	[tilespmem:$0x197E0] =	vst v63  }
0xaa: {  	s24 =	simm.s32 $0x13660  }
0xab: {  	[tilespmem:s24], [sflag:$0xB] =	stream.indirect.gather [hbm4b:s2+s17], $0x1, s5, s17, $0xb8;
	[tilespmem:$0x197E0] =	vst v63  }
0xac: {  	s13 =	simm.s32 $0x115E0;
	s24 =	simm.s32 $0x122E0  }
0xad: {  	[tilespmem:s24], [sflag:$0x8] =	stream.indirect.gather [spmem:s3], $0x1, s13, s17, $0xb8;
	[tilespmem:$0x197E0] =	vst v63  }
0xae: {  	s13 =	simm.s32 $0x10F60;
	s24 =	simm.s32 $0x12960  }
0xaf: {  	[tilespmem:s24], [sflag:$0x9] =	stream.indirect.gather [spmem:s4], $0x1, s13, s17, $0xb8;
	[tilespmem:$0x197E0] =	vst v63  }
0xb0: {  	s12 =	simm.s32 $0x2022;
	_ =	strace $0x8000004C  }
0xb1: {  	v0 =	vld [tilespmem:s12+$0xFFFFFFDE];
	_ =	sdelay $0x1  }
0xb2: {  	v1 =	vld [tilespmem:s12+$0xFFFFFFDF];
	_ =	sdelay $0x2  }
0xb3: {  	v2 =	vmul.u32 $0xF4243, v0  }
0xb4: {  	s13 =	simm.s32 $0x0  }
0xb5: {  	[tilespmem:s13+$0x13CE0] =	vst v0;
	v0 =	vadd.s32 v1, v2  }
0xb6: {  	[tilespmem:s13+$0x14360] =	vst v1;
	v0 =	vand.u32 $0x3FFFFF, v0  }
0xb7: {  	[tilespmem:s13+$0x149E0] =	vst v0  }
0xb8: {  	v0 =	vld [tilespmem:s12+$0xFFFFFFEE];
	_ =	sdelay $0x1  }
0xb9: {  	v1 =	vld [tilespmem:s12+$0xFFFFFFEF];
	_ =	sdelay $0x2  }
0xba: {  	v2 =	vmul.u32 $0xF4243, v0;
	_ =	sdelay $0x1  }
0xbb: {  	[tilespmem:s13+$0x13CF0] =	vst v0;
	v0 =	vadd.s32 v1, v2  }
0xbc: {  	[tilespmem:s13+$0x14370] =	vst v1;
	v0 =	vand.u32 $0x3FFFFF, v0  }
0xbd: {  	[tilespmem:s13+$0x149F0] =	vst v0  }
0xbe: {  	v0 =	vld [tilespmem:s12+$0xFFFFFFFE];
	_ =	sdelay $0x1  }
0xbf: {  	v1 =	vld [tilespmem:s12+$0xFFFFFFFF];
	_ =	sdelay $0x2  }
0xc0: {  	v2 =	vmul.u32 $0xF4243, v0;
	_ =	sdelay $0x1  }
0xc1: {  	[tilespmem:s13+$0x13D00] =	vst v0;
	v0 =	vadd.s32 v1, v2  }
0xc2: {  	[tilespmem:s13+$0x14380] =	vst v1;
	v0 =	vand.u32 $0x3FFFFF, v0  }
0xc3: {  	[tilespmem:s13+$0x14A00] =	vst v0  }
0xc4: {  	v0 =	vld [tilespmem:s12+$0xFFFFFFFF];
	_ =	sdelay $0x1  }
0xc5: {  	v1 =	vld [tilespmem:s12+$0x0];
	_ =	sdelay $0x2  }
0xc6: {  	v2 =	vmul.u32 $0xF4243, v0;
	_ =	sdelay $0x1  }
0xc7: {  	[tilespmem:s13+$0x13D01] =	vst v0;
	v0 =	vadd.s32 v1, v2  }
0xc8: {  	s24 =	simm.s32 $0xC4;
	[tilespmem:s13+$0x14381] =	vst v1;
	v0 =	vand.u32 $0x3FFFFF, v0  }
.LBB2_6:
0xc9: {  	p0 =	sne.s32 s24, $0x17BC  }
0xca: {  	[tilespmem:s13+$0x14A01] =	vst v0;
	s12 =	sadd.s32 $0x80, s12;
	s5 =	smov.u32 s24;
	s24 =	sadd.s32 $0xC4, s24  }
0xcb: {  	v0 =	vld [tilespmem:s12+$0xFFFFFFDE];
	_ =	sdelay $0x1  }
0xcc: {  	v1 =	vld [tilespmem:s12+$0xFFFFFFDF];
	_ =	sdelay $0x2  }
0xcd: {  	v2 =	vmul.u32 $0xF4243, v0  }
0xce: {  	s13 =	sshra.s32 s5, $0x2  }
0xcf: {  	[tilespmem:s13+$0x13CE0] =	vst v0;
	v0 =	vadd.s32 v1, v2  }
0xd0: {  	[tilespmem:s13+$0x14360] =	vst v1;
	v0 =	vand.u32 $0x3FFFFF, v0  }
0xd1: {  	[tilespmem:s13+$0x149E0] =	vst v0  }
0xd2: {  	v0 =	vld [tilespmem:s12+$0xFFFFFFEE];
	_ =	sdelay $0x1  }
0xd3: {  	v1 =	vld [tilespmem:s12+$0xFFFFFFEF];
	_ =	sdelay $0x2  }
0xd4: {  	[tilespmem:s13+$0x13CF0] =	vst v0;
	v0 =	vmul.u32 $0xF4243, v0;
	_ =	sdelay $0x1  }
0xd5: {  	[tilespmem:s13+$0x14370] =	vst v1;
	v0 =	vadd.s32 v1, v0  }
0xd6: {  	v0 =	vand.u32 $0x3FFFFF, v0  }
0xd7: {  	[tilespmem:s13+$0x149F0] =	vst v0  }
0xd8: {  	v0 =	vld [tilespmem:s12+$0xFFFFFFFE];
	_ =	sdelay $0x1  }
0xd9: {  	v1 =	vld [tilespmem:s12+$0xFFFFFFFF];
	_ =	sdelay $0x2  }
0xda: {  	[tilespmem:s13+$0x13D00] =	vst v0;
	v0 =	vmul.u32 $0xF4243, v0;
	_ =	sdelay $0x1  }
0xdb: {  	[tilespmem:s13+$0x14380] =	vst v1;
	v0 =	vadd.s32 v1, v0  }
0xdc: {  	v0 =	vand.u32 $0x3FFFFF, v0  }
0xdd: {  	[tilespmem:s13+$0x14A00] =	vst v0  }
0xde: {  	v0 =	vld [tilespmem:s12+$0xFFFFFFFF]  }
0xdf: {  	v1 =	vld [tilespmem:s12+$0x0];
	_ =	sdelay $0x2  }
.Ltmp2:
0xe0: {  	(pc) =	sbr.rel @p0 .LBB2_6-.Ltmp2, $4  }
0xe1: {  	[tilespmem:s13+$0x13D01] =	vst v0;
	v0 =	vmul.u32 $0xF4243, v0  }
0xe2: {  	[tilespmem:s13+$0x14381] =	vst v1  }
0xe3: {  	v0 =	vadd.s32 v1, v0  }
0xe4: {  	v0 =	vand.u32 $0x3FFFFF, v0  }
0xe5: {  	[tilespmem:s13+$0x14A01] =	vst v0  }
0xe6: {  	s5 =	simm.s32 $0x149E0;
	s12 =	simm.s32 $0x15D60;
	_ =	strace $0x9000004C  }
0xe7: {  	[tilespmem:s12], [sflag:$0xE] =	stream.indirect.gather [hbm4b:s1+s17], $0x1, s5, s17, $0xb8;
	[tilespmem:$0x197E0] =	vst v63  }
0xe8: {  	s24 =	simm.s32 $0x163E0  }
0xe9: {  	[tilespmem:s24], [sflag:$0xF] =	stream.indirect.gather [hbm4b:s2+s17], $0x1, s5, s17, $0xb8;
	[tilespmem:$0x197E0] =	vst v63  }
0xea: {  	s13 =	simm.s32 $0x14360;
	s24 =	simm.s32 $0x15060  }
0xeb: {  	[tilespmem:s24], [sflag:$0xC] =	stream.indirect.gather [spmem:s3], $0x1, s13, s17, $0xb8;
	[tilespmem:$0x197E0] =	vst v63  }
0xec: {  	s13 =	simm.s32 $0x13CE0;
	s24 =	simm.s32 $0x156E0  }
0xed: {  	[tilespmem:s24], [sflag:$0xD] =	stream.indirect.gather [spmem:s4], $0x1, s13, s17, $0xb8;
	[tilespmem:$0x197E0] =	vst v63  }
0xee: {  	s12 =	simm.s32 $0x3022;
	_ =	strace $0x8000004D  }
0xef: {  	v0 =	vld [tilespmem:s12+$0xFFFFFFDE];
	_ =	sdelay $0x1  }
0xf0: {  	v1 =	vld [tilespmem:s12+$0xFFFFFFDF];
	_ =	sdelay $0x2  }
0xf1: {  	v2 =	vmul.u32 $0xF4243, v0  }
0xf2: {  	s13 =	simm.s32 $0x0  }
0xf3: {  	[tilespmem:s13+$0x16A60] =	vst v0;
	v0 =	vadd.s32 v1, v2  }
0xf4: {  	[tilespmem:s13+$0x170E0] =	vst v1;
	v0 =	vand.u32 $0x3FFFFF, v0  }
0xf5: {  	[tilespmem:s13+$0x17760] =	vst v0  }
0xf6: {  	v0 =	vld [tilespmem:s12+$0xFFFFFFEE];
	_ =	sdelay $0x1  }
0xf7: {  	v1 =	vld [tilespmem:s12+$0xFFFFFFEF];
	_ =	sdelay $0x2  }
0xf8: {  	v2 =	vmul.u32 $0xF4243, v0;
	_ =	sdelay $0x1  }
0xf9: {  	[tilespmem:s13+$0x16A70] =	vst v0;
	v0 =	vadd.s32 v1, v2  }
0xfa: {  	[tilespmem:s13+$0x170F0] =	vst v1;
	v0 =	vand.u32 $0x3FFFFF, v0  }
0xfb: {  	[tilespmem:s13+$0x17770] =	vst v0  }
0xfc: {  	v0 =	vld [tilespmem:s12+$0xFFFFFFFE];
	_ =	sdelay $0x1  }
0xfd: {  	v1 =	vld [tilespmem:s12+$0xFFFFFFFF];
	_ =	sdelay $0x2  }
0xfe: {  	v2 =	vmul.u32 $0xF4243, v0;
	_ =	sdelay $0x1  }
0xff: {  	[tilespmem:s13+$0x16A80] =	vst v0;
	v0 =	vadd.s32 v1, v2  }
0x100: {  	[tilespmem:s13+$0x17100] =	vst v1;
	v0 =	vand.u32 $0x3FFFFF, v0  }
0x101: {  	[tilespmem:s13+$0x17780] =	vst v0  }
0x102: {  	v0 =	vld [tilespmem:s12+$0xFFFFFFFF];
	_ =	sdelay $0x1  }
0x103: {  	v1 =	vld [tilespmem:s12+$0x0];
	_ =	sdelay $0x2  }
0x104: {  	v2 =	vmul.u32 $0xF4243, v0;
	_ =	sdelay $0x1  }
0x105: {  	[tilespmem:s13+$0x16A81] =	vst v0;
	v0 =	vadd.s32 v1, v2  }
0x106: {  	s24 =	simm.s32 $0xC4;
	[tilespmem:s13+$0x17101] =	vst v1;
	v0 =	vand.u32 $0x3FFFFF, v0  }
.LBB2_8:
0x107: {  	p0 =	sne.s32 s24, $0x17BC  }
0x108: {  	[tilespmem:s13+$0x17781] =	vst v0;
	s12 =	sadd.s32 $0x80, s12;
	s5 =	smov.u32 s24;
	s24 =	sadd.s32 $0xC4, s24  }
0x109: {  	v0 =	vld [tilespmem:s12+$0xFFFFFFDE];
	_ =	sdelay $0x1  }
0x10a: {  	v1 =	vld [tilespmem:s12+$0xFFFFFFDF];
	_ =	sdelay $0x2  }
0x10b: {  	v2 =	vmul.u32 $0xF4243, v0  }
0x10c: {  	s13 =	sshra.s32 s5, $0x2  }
0x10d: {  	[tilespmem:s13+$0x16A60] =	vst v0;
	v0 =	vadd.s32 v1, v2  }
0x10e: {  	[tilespmem:s13+$0x170E0] =	vst v1;
	v0 =	vand.u32 $0x3FFFFF, v0  }
0x10f: {  	[tilespmem:s13+$0x17760] =	vst v0  }
0x110: {  	v0 =	vld [tilespmem:s12+$0xFFFFFFEE];
	_ =	sdelay $0x1  }
0x111: {  	v1 =	vld [tilespmem:s12+$0xFFFFFFEF];
	_ =	sdelay $0x2  }
0x112: {  	[tilespmem:s13+$0x16A70] =	vst v0;
	v0 =	vmul.u32 $0xF4243, v0;
	_ =	sdelay $0x1  }
0x113: {  	[tilespmem:s13+$0x170F0] =	vst v1;
	v0 =	vadd.s32 v1, v0  }
0x114: {  	v0 =	vand.u32 $0x3FFFFF, v0  }
0x115: {  	[tilespmem:s13+$0x17770] =	vst v0  }
0x116: {  	v0 =	vld [tilespmem:s12+$0xFFFFFFFE];
	_ =	sdelay $0x1  }
0x117: {  	v1 =	vld [tilespmem:s12+$0xFFFFFFFF];
	_ =	sdelay $0x2  }
0x118: {  	[tilespmem:s13+$0x16A80] =	vst v0;
	v0 =	vmul.u32 $0xF4243, v0;
	_ =	sdelay $0x1  }
0x119: {  	[tilespmem:s13+$0x17100] =	vst v1;
	v0 =	vadd.s32 v1, v0  }
0x11a: {  	v0 =	vand.u32 $0x3FFFFF, v0  }
0x11b: {  	[tilespmem:s13+$0x17780] =	vst v0  }
0x11c: {  	v0 =	vld [tilespmem:s12+$0xFFFFFFFF]  }
0x11d: {  	v1 =	vld [tilespmem:s12+$0x0];
	_ =	sdelay $0x2  }
.Ltmp3:
0x11e: {  	(pc) =	sbr.rel @p0 .LBB2_8-.Ltmp3, $4  }
0x11f: {  	[tilespmem:s13+$0x16A81] =	vst v0;
	v0 =	vmul.u32 $0xF4243, v0  }
0x120: {  	[tilespmem:s13+$0x17101] =	vst v1  }
0x121: {  	v0 =	vadd.s32 v1, v0  }
0x122: {  	v0 =	vand.u32 $0x3FFFFF, v0  }
0x123: {  	[tilespmem:s13+$0x17781] =	vst v0  }
0x124: {  	s5 =	simm.s32 $0x17760;
	s12 =	simm.s32 $0x18AE0;
	_ =	strace $0x9000004D  }
0x125: {  	[tilespmem:s12], [sflag:$0x12] =	stream.indirect.gather [hbm4b:s1+s17], $0x1, s5, s17, $0xb8;
	[tilespmem:$0x197E0] =	vst v63  }
0x126: {  	s24 =	simm.s32 $0x19160  }
0x127: {  	[tilespmem:s24], [sflag:$0x13] =	stream.indirect.gather [hbm4b:s2+s17], $0x1, s5, s17, $0xb8;
	[tilespmem:$0x197E0] =	vst v63  }
0x128: {  	s13 =	simm.s32 $0x170E0;
	s24 =	simm.s32 $0x17DE0  }
0x129: {  	[tilespmem:s24], [sflag:$0x10] =	stream.indirect.gather [spmem:s3], $0x1, s13, s17, $0xb8;
	[tilespmem:$0x197E0] =	vst v63  }
0x12a: {  	s13 =	simm.s32 $0x16A60;
	s24 =	simm.s32 $0x18460  }
0x12b: {  	[tilespmem:s24], [sflag:$0x11] =	stream.indirect.gather [spmem:s4], $0x1, s13, s17, $0xb8;
	[tilespmem:$0x197E0] =	vst v63  }
0x12c: {  	_ =	strace $0x8000004E  }
0x12d: {  	_ =	swait.ge [sflag:s31], $0x620  }
0x12e: {  	[sflag:s31] =	ssyncset.done $0x0  }
0x12f: {  	[sflag:s31] =	ssyncadd.s32 $0xFFFFF9E0  }
0x130: {  	_ =	swait.ge [sflag:s0], $0x620  }
0x131: {  	[sflag:s0] =	ssyncset.done $0x0  }
0x132: {  	[sflag:s0] =	ssyncadd.s32 $0xFFFFF9E0  }
0x133: {  	_ =	swait.ge [sflag:s19], $0x620  }
0x134: {  	[sflag:s19] =	ssyncset.done $0x0  }
0x135: {  	[sflag:s19] =	ssyncadd.s32 $0xFFFFF9E0  }
0x136: {  	_ =	swait.ge [sflag:s20], $0x620  }
0x137: {  	[sflag:s20] =	ssyncset.done $0x0  }
0x138: {  	[sflag:s20] =	ssyncadd.s32 $0xFFFFF9E0  }
0x139: {  	_ =	strace $0x9000004E  }
0x13a: {  	s13 =	simm.s32 $0x0;
	_ =	strace $0x8000004F  }
0x13b: {  	v0 =	vld [tilespmem:s13+$0xF560]  }
0x13c: {  	v1 =	vld [tilespmem:s13+$0x108E0]  }
0x13d: {  	v2 =	vld [tilespmem:s13+$0xFBE0];
	_ =	sdelay $0x1  }
0x13e: {  	v3 =	vld [tilespmem:s13+$0x10260];
	_ =	sdelay $0x2  }
0x13f: {  	v4 =	vsub.f32 $1.000000000e+00, v1;
	v0 =	vadd.f32 v0, v2;
	_ =	sdelay $0x1  }
0x140: {  	v1 =	vmul.f32 v3, v1;
	v0 =	vmul.f32 v0, v4;
	_ =	sdelay $0x1  }
0x141: {  	v0 =	vadd.f32 v0, v1  }
0x142: {  	s12 =	simm.s32 $0x4020  }
0x143: {  	[tilespmem:s12+$0xFFFFFFE0] =	vst v0  }
0x144: {  	v0 =	vld [tilespmem:s13+$0x108F0]  }
0x145: {  	v1 =	vld [tilespmem:s13+$0xFBF0]  }
0x146: {  	v2 =	vld [tilespmem:s13+$0xF570];
	_ =	sdelay $0x1  }
0x147: {  	v3 =	vld [tilespmem:s13+$0x10270];
	_ =	sdelay $0x2  }
0x148: {  	v4 =	vsub.f32 $1.000000000e+00, v0;
	v1 =	vadd.f32 v2, v1;
	_ =	sdelay $0x1  }
0x149: {  	v0 =	vmul.f32 v3, v0;
	v1 =	vmul.f32 v1, v4;
	_ =	sdelay $0x1  }
0x14a: {  	v0 =	vadd.f32 v1, v0;
	_ =	sdelay $0x1  }
0x14b: {  	[tilespmem:s12+$0xFFFFFFF0] =	vst v0  }
0x14c: {  	v0 =	vld [tilespmem:s13+$0xF580]  }
0x14d: {  	v1 =	vld [tilespmem:s13+$0x10900]  }
0x14e: {  	v2 =	vld [tilespmem:s13+$0xFC00];
	_ =	sdelay $0x1  }
0x14f: {  	v3 =	vld [tilespmem:s13+$0x10280];
	_ =	sdelay $0x2  }
0x150: {  	v4 =	vsub.f32 $1.000000000e+00, v1;
	v0 =	vadd.f32 v0, v2;
	_ =	sdelay $0x1  }
0x151: {  	v1 =	vmul.f32 v3, v1;
	v0 =	vmul.f32 v0, v4;
	_ =	sdelay $0x1  }
0x152: {  	v0 =	vadd.f32 v0, v1;
	_ =	sdelay $0x1  }
0x153: {  	[tilespmem:s12+$0x0] =	vst v0  }
0x154: {  	v0 =	vld [tilespmem:s13+$0x10901]  }
0x155: {  	v1 =	vld [tilespmem:s13+$0xF581]  }
0x156: {  	v2 =	vld [tilespmem:s13+$0xFC01]  }
0x157: {  	s24 =	simm.s32 $0xC4;
	v3 =	vld [tilespmem:s13+$0x10281];
	s13 =	simm.s32 $0x4020  }
.LBB2_10:
0x158: {  	p0 =	sne.s32 s24, $0x17BC  }
0x159: {  	s12 =	sadd.s32 $0x80, s12;
	s5 =	smov.u32 s24;
	s24 =	sadd.s32 $0xC4, s24;
	v4 =	vsub.f32 $1.000000000e+00, v0  }
0x15a: {  	_ = 	snop  }
0x15b: {  	v1 =	vadd.f32 v1, v2  }
0x15c: {  	v0 =	vmul.f32 v3, v0  }
0x15d: {  	v1 =	vmul.f32 v1, v4;
	_ =	sdelay $0x1  }
0x15e: {  	v0 =	vadd.f32 v1, v0;
	_ =	sdelay $0x1  }
0x15f: {  	s5 =	sshra.s32 s5, $0x2;
	[tilespmem:s13+$0x1] =	vst v0;
	s13 =	smov.u32 s12  }
0x160: {  	v0 =	vld [tilespmem:s5+$0xF560]  }
0x161: {  	v1 =	vld [tilespmem:s5+$0x108E0]  }
0x162: {  	v2 =	vld [tilespmem:s5+$0xFBE0];
	_ =	sdelay $0x1  }
0x163: {  	v3 =	vld [tilespmem:s5+$0x10260];
	_ =	sdelay $0x1  }
0x164: {  	v4 =	vsub.f32 $1.000000000e+00, v1  }
0x165: {  	v0 =	vadd.f32 v0, v2;
	_ =	sdelay $0x1  }
0x166: {  	v1 =	vmul.f32 v3, v1;
	v0 =	vmul.f32 v0, v4;
	_ =	sdelay $0x1  }
0x167: {  	v0 =	vadd.f32 v0, v1;
	_ =	sdelay $0x1  }
0x168: {  	[tilespmem:s12+$0xFFFFFFE0] =	vst v0  }
0x169: {  	v0 =	vld [tilespmem:s5+$0x108F0]  }
0x16a: {  	v1 =	vld [tilespmem:s5+$0xFBF0]  }
0x16b: {  	v2 =	vld [tilespmem:s5+$0xF570];
	_ =	sdelay $0x1  }
0x16c: {  	v3 =	vld [tilespmem:s5+$0x10270];
	_ =	sdelay $0x2  }
0x16d: {  	v4 =	vsub.f32 $1.000000000e+00, v0;
	v1 =	vadd.f32 v2, v1;
	_ =	sdelay $0x1  }
0x16e: {  	v0 =	vmul.f32 v3, v0;
	v1 =	vmul.f32 v1, v4;
	_ =	sdelay $0x1  }
0x16f: {  	v0 =	vadd.f32 v1, v0;
	_ =	sdelay $0x1  }
0x170: {  	[tilespmem:s12+$0xFFFFFFF0] =	vst v0  }
0x171: {  	v0 =	vld [tilespmem:s5+$0xF580]  }
0x172: {  	v1 =	vld [tilespmem:s5+$0x10900]  }
0x173: {  	v2 =	vld [tilespmem:s5+$0xFC00];
	_ =	sdelay $0x1  }
0x174: {  	v3 =	vld [tilespmem:s5+$0x10280];
	_ =	sdelay $0x1  }
0x175: {  	v4 =	vsub.f32 $1.000000000e+00, v1  }
0x176: {  	v0 =	vadd.f32 v0, v2;
	_ =	sdelay $0x1  }
0x177: {  	v1 =	vmul.f32 v3, v1;
	v0 =	vmul.f32 v0, v4;
	_ =	sdelay $0x1  }
0x178: {  	v0 =	vadd.f32 v0, v1;
	_ =	sdelay $0x1  }
.Ltmp4:
0x179: {  	[tilespmem:s12+$0x0] =	vst v0;
	(pc) =	sbr.rel @p0 .LBB2_10-.Ltmp4, $4  }
0x17a: {  	v0 =	vld [tilespmem:s5+$0x10901]  }
0x17b: {  	v1 =	vld [tilespmem:s5+$0xF581]  }
0x17c: {  	v2 =	vld [tilespmem:s5+$0xFC01]  }
0x17d: {  	v3 =	vld [tilespmem:s5+$0x10281]  }
0x17e: {  	_ =	sdelay $0x2  }
0x17f: {  	v4 =	vsub.f32 $1.000000000e+00, v0;
	v1 =	vadd.f32 v1, v2;
	_ =	sdelay $0x1  }
0x180: {  	v0 =	vmul.f32 v3, v0;
	v1 =	vmul.f32 v1, v4;
	_ =	sdelay $0x1  }
0x181: {  	v0 =	vadd.f32 v1, v0;
	_ =	sdelay $0x1  }
0x182: {  	[tilespmem:s13+$0x1] =	vst v0  }
0x183: {  	_ =	strace $0x9000004F  }
0x184: {  	_ =	strace $0x80000050  }
0x185: {  	_ =	swait.ge [sflag:s25], $0x620  }
0x186: {  	[sflag:s25] =	ssyncset.done $0x0  }
0x187: {  	[sflag:s25] =	ssyncadd.s32 $0xFFFFF9E0  }
0x188: {  	_ =	swait.ge [sflag:s26], $0x620  }
0x189: {  	[sflag:s26] =	ssyncset.done $0x0  }
0x18a: {  	[sflag:s26] =	ssyncadd.s32 $0xFFFFF9E0  }
0x18b: {  	_ =	swait.ge [sflag:s28], $0x620  }
0x18c: {  	[sflag:s28] =	ssyncset.done $0x0  }
0x18d: {  	[sflag:s28] =	ssyncadd.s32 $0xFFFFF9E0  }
0x18e: {  	_ =	swait.ge [sflag:s30], $0x620  }
0x18f: {  	[sflag:s30] =	ssyncset.done $0x0  }
0x190: {  	[sflag:s30] =	ssyncadd.s32 $0xFFFFF9E0  }
0x191: {  	_ =	strace $0x90000050  }
0x192: {  	s5 =	simm.s32 $0x0;
	_ =	strace $0x80000051  }
0x193: {  	v0 =	vld [tilespmem:s5+$0x122E0]  }
0x194: {  	v1 =	vld [tilespmem:s5+$0x13660]  }
0x195: {  	v2 =	vld [tilespmem:s5+$0x12960];
	_ =	sdelay $0x1  }
0x196: {  	v3 =	vld [tilespmem:s5+$0x12FE0];
	_ =	sdelay $0x2  }
0x197: {  	v4 =	vsub.f32 $1.000000000e+00, v1;
	v0 =	vadd.f32 v0, v2;
	_ =	sdelay $0x1  }
0x198: {  	v1 =	vmul.f32 v3, v1;
	v0 =	vmul.f32 v0, v4;
	_ =	sdelay $0x1  }
0x199: {  	v0 =	vadd.f32 v0, v1  }
0x19a: {  	s12 =	simm.s32 $0x5021  }
0x19b: {  	[tilespmem:s12+$0xFFFFFFDF] =	vst v0  }
0x19c: {  	v0 =	vld [tilespmem:s5+$0x13670]  }
0x19d: {  	v1 =	vld [tilespmem:s5+$0x12970]  }
0x19e: {  	v2 =	vld [tilespmem:s5+$0x122F0];
	_ =	sdelay $0x1  }
0x19f: {  	v3 =	vld [tilespmem:s5+$0x12FF0];
	_ =	sdelay $0x2  }
0x1a0: {  	v4 =	vsub.f32 $1.000000000e+00, v0;
	v1 =	vadd.f32 v2, v1;
	_ =	sdelay $0x1  }
0x1a1: {  	v0 =	vmul.f32 v3, v0;
	v1 =	vmul.f32 v1, v4;
	_ =	sdelay $0x1  }
0x1a2: {  	v0 =	vadd.f32 v1, v0;
	_ =	sdelay $0x1  }
0x1a3: {  	[tilespmem:s12+$0xFFFFFFEF] =	vst v0  }
0x1a4: {  	v0 =	vld [tilespmem:s5+$0x12300]  }
0x1a5: {  	v1 =	vld [tilespmem:s5+$0x13680]  }
0x1a6: {  	v2 =	vld [tilespmem:s5+$0x12980];
	_ =	sdelay $0x1  }
0x1a7: {  	v3 =	vld [tilespmem:s5+$0x13000];
	_ =	sdelay $0x2  }
0x1a8: {  	v4 =	vsub.f32 $1.000000000e+00, v1;
	v0 =	vadd.f32 v0, v2;
	_ =	sdelay $0x1  }
0x1a9: {  	v1 =	vmul.f32 v3, v1;
	v0 =	vmul.f32 v0, v4;
	_ =	sdelay $0x1  }
0x1aa: {  	v0 =	vadd.f32 v0, v1;
	_ =	sdelay $0x1  }
0x1ab: {  	[tilespmem:s12+$0xFFFFFFFF] =	vst v0  }
0x1ac: {  	v0 =	vld [tilespmem:s5+$0x13681]  }
0x1ad: {  	v1 =	vld [tilespmem:s5+$0x12301]  }
0x1ae: {  	v2 =	vld [tilespmem:s5+$0x12981]  }
0x1af: {  	s24 =	simm.s32 $0xC4;
	s13 =	simm.s32 $0x5021;
	v3 =	vld [tilespmem:s5+$0x13001]  }
.LBB2_12:
0x1b0: {  	p0 =	sne.s32 s24, $0x17BC  }
0x1b1: {  	s12 =	sadd.s32 $0x80, s12;
	s5 =	smov.u32 s24;
	s24 =	sadd.s32 $0xC4, s24;
	v4 =	vsub.f32 $1.000000000e+00, v0  }
0x1b2: {  	_ = 	snop  }
0x1b3: {  	v1 =	vadd.f32 v1, v2  }
0x1b4: {  	v0 =	vmul.f32 v3, v0  }
0x1b5: {  	v1 =	vmul.f32 v1, v4;
	_ =	sdelay $0x1  }
0x1b6: {  	v0 =	vadd.f32 v1, v0;
	_ =	sdelay $0x1  }
0x1b7: {  	s5 =	sshra.s32 s5, $0x2;
	[tilespmem:s13+$0x0] =	vst v0;
	s13 =	smov.u32 s12  }
0x1b8: {  	v0 =	vld [tilespmem:s5+$0x122E0]  }
0x1b9: {  	v1 =	vld [tilespmem:s5+$0x13660]  }
0x1ba: {  	v2 =	vld [tilespmem:s5+$0x12960];
	_ =	sdelay $0x1  }
0x1bb: {  	v3 =	vld [tilespmem:s5+$0x12FE0];
	_ =	sdelay $0x1  }
0x1bc: {  	v4 =	vsub.f32 $1.000000000e+00, v1  }
0x1bd: {  	v0 =	vadd.f32 v0, v2;
	_ =	sdelay $0x1  }
0x1be: {  	v1 =	vmul.f32 v3, v1;
	v0 =	vmul.f32 v0, v4;
	_ =	sdelay $0x1  }
0x1bf: {  	v0 =	vadd.f32 v0, v1;
	_ =	sdelay $0x1  }
0x1c0: {  	[tilespmem:s12+$0xFFFFFFDF] =	vst v0  }
0x1c1: {  	v0 =	vld [tilespmem:s5+$0x13670]  }
0x1c2: {  	v1 =	vld [tilespmem:s5+$0x12970]  }
0x1c3: {  	v2 =	vld [tilespmem:s5+$0x122F0];
	_ =	sdelay $0x1  }
0x1c4: {  	v3 =	vld [tilespmem:s5+$0x12FF0];
	_ =	sdelay $0x2  }
0x1c5: {  	v4 =	vsub.f32 $1.000000000e+00, v0;
	v1 =	vadd.f32 v2, v1;
	_ =	sdelay $0x1  }
0x1c6: {  	v0 =	vmul.f32 v3, v0;
	v1 =	vmul.f32 v1, v4;
	_ =	sdelay $0x1  }
0x1c7: {  	v0 =	vadd.f32 v1, v0;
	_ =	sdelay $0x1  }
0x1c8: {  	[tilespmem:s12+$0xFFFFFFEF] =	vst v0  }
0x1c9: {  	v0 =	vld [tilespmem:s5+$0x12300]  }
0x1ca: {  	v1 =	vld [tilespmem:s5+$0x13680]  }
0x1cb: {  	v2 =	vld [tilespmem:s5+$0x12980];
	_ =	sdelay $0x1  }
0x1cc: {  	v3 =	vld [tilespmem:s5+$0x13000];
	_ =	sdelay $0x1  }
0x1cd: {  	v4 =	vsub.f32 $1.000000000e+00, v1  }
0x1ce: {  	v0 =	vadd.f32 v0, v2;
	_ =	sdelay $0x1  }
0x1cf: {  	v1 =	vmul.f32 v3, v1;
	v0 =	vmul.f32 v0, v4;
	_ =	sdelay $0x1  }
0x1d0: {  	v0 =	vadd.f32 v0, v1;
	_ =	sdelay $0x1  }
.Ltmp5:
0x1d1: {  	[tilespmem:s12+$0xFFFFFFFF] =	vst v0;
	(pc) =	sbr.rel @p0 .LBB2_12-.Ltmp5, $4  }
0x1d2: {  	v0 =	vld [tilespmem:s5+$0x13681]  }
0x1d3: {  	v1 =	vld [tilespmem:s5+$0x12301]  }
0x1d4: {  	v2 =	vld [tilespmem:s5+$0x12981]  }
0x1d5: {  	v3 =	vld [tilespmem:s5+$0x13001]  }
0x1d6: {  	_ =	sdelay $0x2  }
0x1d7: {  	v4 =	vsub.f32 $1.000000000e+00, v0;
	v1 =	vadd.f32 v1, v2;
	_ =	sdelay $0x1  }
0x1d8: {  	v0 =	vmul.f32 v3, v0;
	v1 =	vmul.f32 v1, v4;
	_ =	sdelay $0x1  }
0x1d9: {  	v0 =	vadd.f32 v1, v0;
	_ =	sdelay $0x1  }
0x1da: {  	[tilespmem:s13+$0x0] =	vst v0  }
0x1db: {  	_ =	strace $0x90000051  }
0x1dc: {  	_ =	strace $0x80000052  }
0x1dd: {  	_ =	swait.ge [sflag:s14], $0x620  }
0x1de: {  	[sflag:s14] =	ssyncset.done $0x0  }
0x1df: {  	[sflag:s14] =	ssyncadd.s32 $0xFFFFF9E0  }
0x1e0: {  	_ =	swait.ge [sflag:s15], $0x620  }
0x1e1: {  	[sflag:s15] =	ssyncset.done $0x0  }
0x1e2: {  	[sflag:s15] =	ssyncadd.s32 $0xFFFFF9E0  }
0x1e3: {  	_ =	swait.ge [sflag:s18], $0x620  }
0x1e4: {  	[sflag:s18] =	ssyncset.done $0x0  }
0x1e5: {  	[sflag:s18] =	ssyncadd.s32 $0xFFFFF9E0  }
0x1e6: {  	_ =	swait.ge [sflag:s7], $0x620  }
0x1e7: {  	[sflag:s7] =	ssyncset.done $0x0  }
0x1e8: {  	[sflag:s7] =	ssyncadd.s32 $0xFFFFF9E0  }
0x1e9: {  	_ =	strace $0x90000052  }
0x1ea: {  	s5 =	simm.s32 $0x0;
	_ =	strace $0x80000053  }
0x1eb: {  	v0 =	vld [tilespmem:s5+$0x15060]  }
0x1ec: {  	v1 =	vld [tilespmem:s5+$0x163E0]  }
0x1ed: {  	v2 =	vld [tilespmem:s5+$0x156E0];
	_ =	sdelay $0x1  }
0x1ee: {  	v3 =	vld [tilespmem:s5+$0x15D60];
	_ =	sdelay $0x2  }
0x1ef: {  	v4 =	vsub.f32 $1.000000000e+00, v1;
	v0 =	vadd.f32 v0, v2;
	_ =	sdelay $0x1  }
0x1f0: {  	v1 =	vmul.f32 v3, v1;
	v0 =	vmul.f32 v0, v4;
	_ =	sdelay $0x1  }
0x1f1: {  	v0 =	vadd.f32 v0, v1  }
0x1f2: {  	s12 =	simm.s32 $0x6021  }
0x1f3: {  	[tilespmem:s12+$0xFFFFFFDF] =	vst v0  }
0x1f4: {  	v0 =	vld [tilespmem:s5+$0x163F0]  }
0x1f5: {  	v1 =	vld [tilespmem:s5+$0x156F0]  }
0x1f6: {  	v2 =	vld [tilespmem:s5+$0x15070];
	_ =	sdelay $0x1  }
0x1f7: {  	v3 =	vld [tilespmem:s5+$0x15D70];
	_ =	sdelay $0x2  }
0x1f8: {  	v4 =	vsub.f32 $1.000000000e+00, v0;
	v1 =	vadd.f32 v2, v1;
	_ =	sdelay $0x1  }
0x1f9: {  	v0 =	vmul.f32 v3, v0;
	v1 =	vmul.f32 v1, v4;
	_ =	sdelay $0x1  }
0x1fa: {  	v0 =	vadd.f32 v1, v0;
	_ =	sdelay $0x1  }
0x1fb: {  	[tilespmem:s12+$0xFFFFFFEF] =	vst v0  }
0x1fc: {  	v0 =	vld [tilespmem:s5+$0x15080]  }
0x1fd: {  	v1 =	vld [tilespmem:s5+$0x16400]  }
0x1fe: {  	v2 =	vld [tilespmem:s5+$0x15700];
	_ =	sdelay $0x1  }
0x1ff: {  	v3 =	vld [tilespmem:s5+$0x15D80];
	_ =	sdelay $0x2  }
0x200: {  	v4 =	vsub.f32 $1.000000000e+00, v1;
	v0 =	vadd.f32 v0, v2;
	_ =	sdelay $0x1  }
0x201: {  	v1 =	vmul.f32 v3, v1;
	v0 =	vmul.f32 v0, v4;
	_ =	sdelay $0x1  }
0x202: {  	v0 =	vadd.f32 v0, v1;
	_ =	sdelay $0x1  }
0x203: {  	[tilespmem:s12+$0xFFFFFFFF] =	vst v0  }
0x204: {  	v0 =	vld [tilespmem:s5+$0x16401]  }
0x205: {  	v1 =	vld [tilespmem:s5+$0x15081]  }
0x206: {  	v2 =	vld [tilespmem:s5+$0x15701]  }
0x207: {  	s24 =	simm.s32 $0xC4;
	s13 =	simm.s32 $0x6021;
	v3 =	vld [tilespmem:s5+$0x15D81]  }
.LBB2_14:
0x208: {  	p0 =	sne.s32 s24, $0x17BC  }
0x209: {  	s12 =	sadd.s32 $0x80, s12;
	s5 =	smov.u32 s24;
	s24 =	sadd.s32 $0xC4, s24;
	v4 =	vsub.f32 $1.000000000e+00, v0  }
0x20a: {  	_ = 	snop  }
0x20b: {  	v1 =	vadd.f32 v1, v2  }
0x20c: {  	v0 =	vmul.f32 v3, v0  }
0x20d: {  	v1 =	vmul.f32 v1, v4;
	_ =	sdelay $0x1  }
0x20e: {  	v0 =	vadd.f32 v1, v0;
	_ =	sdelay $0x1  }
0x20f: {  	s5 =	sshra.s32 s5, $0x2;
	[tilespmem:s13+$0x0] =	vst v0;
	s13 =	smov.u32 s12  }
0x210: {  	v0 =	vld [tilespmem:s5+$0x15060]  }
0x211: {  	v1 =	vld [tilespmem:s5+$0x163E0]  }
0x212: {  	v2 =	vld [tilespmem:s5+$0x156E0];
	_ =	sdelay $0x1  }
0x213: {  	v3 =	vld [tilespmem:s5+$0x15D60];
	_ =	sdelay $0x1  }
0x214: {  	v4 =	vsub.f32 $1.000000000e+00, v1  }
0x215: {  	v0 =	vadd.f32 v0, v2;
	_ =	sdelay $0x1  }
0x216: {  	v1 =	vmul.f32 v3, v1;
	v0 =	vmul.f32 v0, v4;
	_ =	sdelay $0x1  }
0x217: {  	v0 =	vadd.f32 v0, v1;
	_ =	sdelay $0x1  }
0x218: {  	[tilespmem:s12+$0xFFFFFFDF] =	vst v0  }
0x219: {  	v0 =	vld [tilespmem:s5+$0x163F0]  }
0x21a: {  	v1 =	vld [tilespmem:s5+$0x156F0]  }
0x21b: {  	v2 =	vld [tilespmem:s5+$0x15070];
	_ =	sdelay $0x1  }
0x21c: {  	v3 =	vld [tilespmem:s5+$0x15D70];
	_ =	sdelay $0x2  }
0x21d: {  	v4 =	vsub.f32 $1.000000000e+00, v0;
	v1 =	vadd.f32 v2, v1;
	_ =	sdelay $0x1  }
0x21e: {  	v0 =	vmul.f32 v3, v0;
	v1 =	vmul.f32 v1, v4;
	_ =	sdelay $0x1  }
0x21f: {  	v0 =	vadd.f32 v1, v0;
	_ =	sdelay $0x1  }
0x220: {  	[tilespmem:s12+$0xFFFFFFEF] =	vst v0  }
0x221: {  	v0 =	vld [tilespmem:s5+$0x15080]  }
0x222: {  	v1 =	vld [tilespmem:s5+$0x16400]  }
0x223: {  	v2 =	vld [tilespmem:s5+$0x15700];
	_ =	sdelay $0x1  }
0x224: {  	v3 =	vld [tilespmem:s5+$0x15D80];
	_ =	sdelay $0x1  }
0x225: {  	v4 =	vsub.f32 $1.000000000e+00, v1  }
0x226: {  	v0 =	vadd.f32 v0, v2;
	_ =	sdelay $0x1  }
0x227: {  	v1 =	vmul.f32 v3, v1;
	v0 =	vmul.f32 v0, v4;
	_ =	sdelay $0x1  }
0x228: {  	v0 =	vadd.f32 v0, v1;
	_ =	sdelay $0x1  }
.Ltmp6:
0x229: {  	[tilespmem:s12+$0xFFFFFFFF] =	vst v0;
	(pc) =	sbr.rel @p0 .LBB2_14-.Ltmp6, $4  }
0x22a: {  	v0 =	vld [tilespmem:s5+$0x16401]  }
0x22b: {  	v1 =	vld [tilespmem:s5+$0x15081]  }
0x22c: {  	v2 =	vld [tilespmem:s5+$0x15701]  }
0x22d: {  	v3 =	vld [tilespmem:s5+$0x15D81]  }
0x22e: {  	_ =	sdelay $0x2  }
0x22f: {  	v4 =	vsub.f32 $1.000000000e+00, v0;
	v1 =	vadd.f32 v1, v2;
	_ =	sdelay $0x1  }
0x230: {  	v0 =	vmul.f32 v3, v0;
	v1 =	vmul.f32 v1, v4;
	_ =	sdelay $0x1  }
0x231: {  	v0 =	vadd.f32 v1, v0;
	_ =	sdelay $0x1  }
0x232: {  	[tilespmem:s13+$0x0] =	vst v0  }
0x233: {  	_ =	strace $0x90000053  }
0x234: {  	_ =	strace $0x80000054  }
0x235: {  	_ =	swait.ge [sflag:s8], $0x620  }
0x236: {  	[sflag:s8] =	ssyncset.done $0x0  }
0x237: {  	[sflag:s8] =	ssyncadd.s32 $0xFFFFF9E0  }
0x238: {  	_ =	swait.ge [sflag:s29], $0x620  }
0x239: {  	[sflag:s29] =	ssyncset.done $0x0  }
0x23a: {  	[sflag:s29] =	ssyncadd.s32 $0xFFFFF9E0  }
0x23b: {  	_ =	swait.ge [sflag:s9], $0x620  }
0x23c: {  	[sflag:s9] =	ssyncset.done $0x0  }
0x23d: {  	[sflag:s9] =	ssyncadd.s32 $0xFFFFF9E0  }
0x23e: {  	_ =	swait.ge [sflag:s10], $0x620  }
0x23f: {  	[sflag:s10] =	ssyncset.done $0x0  }
0x240: {  	[sflag:s10] =	ssyncadd.s32 $0xFFFFF9E0  }
0x241: {  	_ =	strace $0x90000054  }
0x242: {  	s5 =	simm.s32 $0x0;
	_ =	strace $0x80000055  }
0x243: {  	v0 =	vld [tilespmem:s5+$0x17DE0]  }
0x244: {  	v1 =	vld [tilespmem:s5+$0x19160]  }
0x245: {  	v2 =	vld [tilespmem:s5+$0x18460];
	_ =	sdelay $0x1  }
0x246: {  	v3 =	vld [tilespmem:s5+$0x18AE0];
	_ =	sdelay $0x2  }
0x247: {  	v4 =	vsub.f32 $1.000000000e+00, v1;
	v0 =	vadd.f32 v0, v2;
	_ =	sdelay $0x1  }
0x248: {  	v1 =	vmul.f32 v3, v1;
	v0 =	vmul.f32 v0, v4;
	_ =	sdelay $0x1  }
0x249: {  	v0 =	vadd.f32 v0, v1  }
0x24a: {  	s12 =	simm.s32 $0x7021  }
0x24b: {  	[tilespmem:s12+$0xFFFFFFDF] =	vst v0  }
0x24c: {  	v0 =	vld [tilespmem:s5+$0x19170]  }
0x24d: {  	v1 =	vld [tilespmem:s5+$0x18470]  }
0x24e: {  	v2 =	vld [tilespmem:s5+$0x17DF0];
	_ =	sdelay $0x1  }
0x24f: {  	v3 =	vld [tilespmem:s5+$0x18AF0];
	_ =	sdelay $0x2  }
0x250: {  	v4 =	vsub.f32 $1.000000000e+00, v0;
	v1 =	vadd.f32 v2, v1;
	_ =	sdelay $0x1  }
0x251: {  	v0 =	vmul.f32 v3, v0;
	v1 =	vmul.f32 v1, v4;
	_ =	sdelay $0x1  }
0x252: {  	v0 =	vadd.f32 v1, v0;
	_ =	sdelay $0x1  }
0x253: {  	[tilespmem:s12+$0xFFFFFFEF] =	vst v0  }
0x254: {  	v0 =	vld [tilespmem:s5+$0x17E00]  }
0x255: {  	v1 =	vld [tilespmem:s5+$0x19180]  }
0x256: {  	v2 =	vld [tilespmem:s5+$0x18480];
	_ =	sdelay $0x1  }
0x257: {  	v3 =	vld [tilespmem:s5+$0x18B00];
	_ =	sdelay $0x2  }
0x258: {  	v4 =	vsub.f32 $1.000000000e+00, v1;
	v0 =	vadd.f32 v0, v2;
	_ =	sdelay $0x1  }
0x259: {  	v1 =	vmul.f32 v3, v1;
	v0 =	vmul.f32 v0, v4;
	_ =	sdelay $0x1  }
0x25a: {  	v0 =	vadd.f32 v0, v1;
	_ =	sdelay $0x1  }
0x25b: {  	[tilespmem:s12+$0xFFFFFFFF] =	vst v0  }
0x25c: {  	v0 =	vld [tilespmem:s5+$0x19181]  }
0x25d: {  	v1 =	vld [tilespmem:s5+$0x17E01]  }
0x25e: {  	v2 =	vld [tilespmem:s5+$0x18481]  }
0x25f: {  	s24 =	simm.s32 $0xC4;
	s13 =	simm.s32 $0x7021;
	v3 =	vld [tilespmem:s5+$0x18B01]  }
.LBB2_16:
0x260: {  	p0 =	sne.s32 s24, $0x17BC  }
0x261: {  	s12 =	sadd.s32 $0x80, s12;
	s5 =	smov.u32 s24;
	s24 =	sadd.s32 $0xC4, s24;
	v4 =	vsub.f32 $1.000000000e+00, v0  }
0x262: {  	_ = 	snop  }
0x263: {  	v1 =	vadd.f32 v1, v2  }
0x264: {  	v0 =	vmul.f32 v3, v0  }
0x265: {  	v1 =	vmul.f32 v1, v4;
	_ =	sdelay $0x1  }
0x266: {  	v0 =	vadd.f32 v1, v0;
	_ =	sdelay $0x1  }
0x267: {  	s5 =	sshra.s32 s5, $0x2;
	[tilespmem:s13+$0x0] =	vst v0;
	s13 =	smov.u32 s12  }
0x268: {  	v0 =	vld [tilespmem:s5+$0x17DE0]  }
0x269: {  	v1 =	vld [tilespmem:s5+$0x19160]  }
0x26a: {  	v2 =	vld [tilespmem:s5+$0x18460];
	_ =	sdelay $0x1  }
0x26b: {  	v3 =	vld [tilespmem:s5+$0x18AE0];
	_ =	sdelay $0x1  }
0x26c: {  	v4 =	vsub.f32 $1.000000000e+00, v1  }
0x26d: {  	v0 =	vadd.f32 v0, v2;
	_ =	sdelay $0x1  }
0x26e: {  	v1 =	vmul.f32 v3, v1;
	v0 =	vmul.f32 v0, v4;
	_ =	sdelay $0x1  }
0x26f: {  	v0 =	vadd.f32 v0, v1;
	_ =	sdelay $0x1  }
0x270: {  	[tilespmem:s12+$0xFFFFFFDF] =	vst v0  }
0x271: {  	v0 =	vld [tilespmem:s5+$0x19170]  }
0x272: {  	v1 =	vld [tilespmem:s5+$0x18470]  }
0x273: {  	v2 =	vld [tilespmem:s5+$0x17DF0];
	_ =	sdelay $0x1  }
0x274: {  	v3 =	vld [tilespmem:s5+$0x18AF0];
	_ =	sdelay $0x2  }
0x275: {  	v4 =	vsub.f32 $1.000000000e+00, v0;
	v1 =	vadd.f32 v2, v1;
	_ =	sdelay $0x1  }
0x276: {  	v0 =	vmul.f32 v3, v0;
	v1 =	vmul.f32 v1, v4;
	_ =	sdelay $0x1  }
0x277: {  	v0 =	vadd.f32 v1, v0;
	_ =	sdelay $0x1  }
0x278: {  	[tilespmem:s12+$0xFFFFFFEF] =	vst v0  }
0x279: {  	v0 =	vld [tilespmem:s5+$0x17E00]  }
0x27a: {  	v1 =	vld [tilespmem:s5+$0x19180]  }
0x27b: {  	v2 =	vld [tilespmem:s5+$0x18480];
	_ =	sdelay $0x1  }
0x27c: {  	v3 =	vld [tilespmem:s5+$0x18B00];
	_ =	sdelay $0x1  }
0x27d: {  	v4 =	vsub.f32 $1.000000000e+00, v1  }
0x27e: {  	v0 =	vadd.f32 v0, v2;
	_ =	sdelay $0x1  }
0x27f: {  	v1 =	vmul.f32 v3, v1;
	v0 =	vmul.f32 v0, v4;
	_ =	sdelay $0x1  }
0x280: {  	v0 =	vadd.f32 v0, v1;
	_ =	sdelay $0x1  }
.Ltmp7:
0x281: {  	[tilespmem:s12+$0xFFFFFFFF] =	vst v0;
	(pc) =	sbr.rel @p0 .LBB2_16-.Ltmp7, $4  }
0x282: {  	v0 =	vld [tilespmem:s5+$0x19181]  }
0x283: {  	v1 =	vld [tilespmem:s5+$0x17E01]  }
0x284: {  	v2 =	vld [tilespmem:s5+$0x18481]  }
0x285: {  	v3 =	vld [tilespmem:s5+$0x18B01]  }
0x286: {  	_ =	sdelay $0x2  }
0x287: {  	v4 =	vsub.f32 $1.000000000e+00, v0;
	v1 =	vadd.f32 v1, v2;
	_ =	sdelay $0x1  }
0x288: {  	v63 =	vmul.f32 v3, v0;
	v1 =	vmul.f32 v1, v4;
	_ =	sdelay $0x1  }
0x289: {  	v0 =	vadd.f32 v1, v63;
	_ =	sdelay $0x1  }
0x28a: {  	[tilespmem:s13+$0x0] =	vst v0  }
0x28b: {  	_ =	strace $0x90000055  }
0x28c: {  	_ =	strace $0x80000056  }
0x28d: {  	s12 =	simm.s32 $0x4000;
	s5 =	rddreg [dreg:$0xd]  }
0x28e: {  	[hbm4b:s5+s6] =	stream.linear.scatter [tilespmem:s12], [sflag:$0x14], $0x4000, $0x200038;
	[tilespmem:$0x197E0] =	vst v63  }
0x28f: {  	_ =	swait.ge [sflag:s22], $0x4000  }
0x290: {  	s11 =	sadd.s32 $0x1, s11;
	s24 =	rddreg [dreg:$0xe]  }
0x291: {  	p0 =	sne.s32 s11, s24  }
.Ltmp8:
0x292: {  	_ = 	snop;
	(pc) =	sbr.rel @p0 .LBB2_1-.Ltmp8, $4  }
0x293: {  	_ = 	snop  }
0x294: {  	[sflag:s22] =	ssyncset.done $0x0  }
0x295: {  	[sflag:s22] =	ssyncadd.s32 $0xFFFFC000  }
0x296: {  	_ =	strace $0x90000056  }
0x297: {  	_ =	sfence.sel $0x180000  }
0x298: {  	[bflag:$0x0] =	sbarrier.arrive $0xFFFF  }
0x299: {  	_ =	strace $0x90000047  }
0x29a: {  	s0 =	stileid.u32;
	[bflag:$0x2] =	sbarrier.arrive $0xFFFF  }
0x29b: {  	p0 =	sne.s32 s0, $0x0;
	s0 =	rddreg [dreg:$0x7]  }
0x29c: {  	s0 =	sadd.s32 @!p0 $0x100000, s0  }
0x29d: {  	[sflag:s0] =	ssyncadd.tile.s32 @!p0 $0x1;
	_ =	shalt  }
.Lfunc_end2:
_tile_overlayer_lowered:
.L_overlay_start_2:
0x29e: {  	(tag) =	ssettag $0x2  }
0x29f: {  	s0 =	rddreg [dreg:$0x0];
	s2 =	stileid.u32  }
0x2a0: {  	s1 =	rddreg [dreg:$0x1];
	p0 =	sne.s32 s2, $0x0  }
0x2a1: {  	s3 =	rddreg [dreg:$0x2];
	[bflag:$0x3] =	sbarrier.arrive $0xFFFF;
	s2 =	simm.s32 @!p0 $0x1C14  }
0x2a2: {  	[timem:s3], [sflag:s2] =	dma.local @!p0 [hbm:s0], s1  }
0x2a3: {  	s0 =	simm.s32 @!p0 $0x14  }
0x2a4: {  	_ =	swait.ge @!p0 [sflag:s0], s1  }
0x2a5: {  	s1 =	ssub.s32 @!p0 $0x0, s1;
	[sflag:s0] =	ssyncset.done @!p0 $0x0  }
0x2a6: {  	[sflag:s0] =	ssyncadd.s32 @!p0 s1  }
0x2a7: {  	[bflag:$0x3] =	sbarrier.arrive $0xFFFF  }
0x2a8: {  	_ =	shalt  }

</sc_bundles>
